<compile_context>
chip_gen: v7x
topology: tpu7x:2x2x1
jax: 0.10.2.dev20260603
libtpu: 0.0.44.dev20260713+nightly
codegen_flags: <defaults>
</compile_context>

<pallas_src>
import functools

import jax
import jax.numpy as jnp
from jax import lax
from jax.experimental import pallas as pl
from jax.experimental.pallas import tpu as pltpu
from jax.experimental.pallas import tpu_sc as plsc

NC = 2
NS = 16
NW = NC * NS
L = 16
D = 128
CEDGE = 128


def _fill(buf, rows, value):
  v = jnp.full((L,), value, jnp.float32)

  def body(i, _):
    for j in range(D // L):
      buf[i, pl.ds(j * L, L)] = v
    return 0

  lax.fori_loop(0, rows, body, 0)


def _make_step(n_pad, ch):
  rpt = n_pad // NS

  mesh = plsc.VectorSubcoreMesh(core_axis_name="c", subcore_axis_name="s")

  @functools.partial(
      pl.kernel,
      mesh=mesh,
      out_type=jax.ShapeDtypeStruct((NC, n_pad, D), jnp.float32),
      scratch_types=[
          pltpu.VMEM((ch, CEDGE), jnp.int32),
          pltpu.VMEM((ch, CEDGE), jnp.int32),
          pltpu.VMEM((CEDGE, D), jnp.float32),
          pltpu.VMEM_SHARED((n_pad, D), jnp.float32),
          pltpu.SemaphoreType.DMA,
      ],
  )
  def step(y_hbm, colx_hbm, rowx_hbm, out_hbm, cidx, ridx, gbuf, acc, sem):
    c = lax.axis_index("c")
    s = lax.axis_index("s")
    wid = s * NC + c
    base = s * rpt

    _fill(gbuf, CEDGE, 0.0)
    for k in range(rpt // CEDGE):
      pltpu.sync_copy(gbuf, acc.at[pl.ds(base + k * CEDGE, CEDGE)])
    plsc.subcore_barrier()

    pltpu.sync_copy(colx_hbm.at[wid], cidx)
    pltpu.sync_copy(rowx_hbm.at[wid], ridx)

    def chunk(j, _):
      pltpu.sync_copy(y_hbm.at[cidx.at[j]], gbuf)
      pltpu.sync_copy(gbuf, acc.at[ridx.at[j]], add=True)
      return 0

    lax.fori_loop(0, ch, chunk, 0)
    plsc.subcore_barrier()

    pltpu.sync_copy(acc.at[pl.ds(base, rpt)], out_hbm.at[c, pl.ds(base, rpt)])

  return step


def _make_deg(n_pad, ch):
  rpt = n_pad // NS
  mesh = plsc.VectorSubcoreMesh(core_axis_name="c", subcore_axis_name="s")

  @functools.partial(
      pl.kernel,
      mesh=mesh,
      out_type=jax.ShapeDtypeStruct((NC, n_pad, D), jnp.float32),
      scratch_types=[
          pltpu.VMEM((ch, CEDGE), jnp.int32),
          pltpu.VMEM((CEDGE, D), jnp.float32),
          pltpu.VMEM_SHARED((n_pad, D), jnp.float32),
      ],
  )
  def deg(colx_hbm, out_hbm, cidx, gbuf, acc):
    c = lax.axis_index("c")
    s = lax.axis_index("s")
    wid = s * NC + c
    base = s * rpt

    _fill(gbuf, CEDGE, 0.0)
    for k in range(rpt // CEDGE):
      pltpu.sync_copy(gbuf, acc.at[pl.ds(base + k * CEDGE, CEDGE)])
    plsc.subcore_barrier()

    pltpu.sync_copy(colx_hbm.at[wid], cidx)
    _fill(gbuf, CEDGE, 1.0)

    def chunk(j, _):
      pltpu.sync_copy(gbuf, acc.at[cidx.at[j]], add=True)
      return 0

    lax.fori_loop(0, ch, chunk, 0)
    plsc.subcore_barrier()

    pltpu.sync_copy(acc.at[pl.ds(base, rpt)], out_hbm.at[c, pl.ds(base, rpt)])

  return deg


def _combine(p, a, b, block_rows):
  n_pad = a.shape[0]

  def body(p_ref, a_ref, b_ref, o_ref):
    o_ref[...] = a_ref[...] + b_ref[...] * (p_ref[0] + p_ref[1])

  return pl.pallas_call(
      body,
      grid=(n_pad // block_rows,),
      in_specs=[
          pl.BlockSpec((2, block_rows, D), lambda i: (0, i, 0)),
          pl.BlockSpec((block_rows, D), lambda i: (i, 0)),
          pl.BlockSpec((block_rows, D), lambda i: (i, 0)),
      ],
      out_specs=pl.BlockSpec((block_rows, D), lambda i: (i, 0)),
      out_shape=jax.ShapeDtypeStruct((n_pad, D), jnp.float32),
  )(p, a, b)


def _constants(degp, x_pad, m_pad, block_rows):
  n_pad = x_pad.shape[0]

  def body(dp_ref, x_ref, m_ref, c0_ref, c1_ref, f0_ref, f1_ref):
    deg = dp_ref[0] + dp_ref[1]
    dinv = jnp.where(deg > 0.0, lax.rsqrt(deg), 0.0)
    m = m_ref[...]
    xv = x_ref[...]
    c0_ref[...] = m * dinv * xv
    c1_ref[...] = (1.0 - m) * dinv * dinv
    f0_ref[...] = m * xv
    f1_ref[...] = (1.0 - m) * dinv

  shp = jax.ShapeDtypeStruct((n_pad, D), jnp.float32)
  return pl.pallas_call(
      body,
      grid=(n_pad // block_rows,),
      in_specs=[
          pl.BlockSpec((2, block_rows, D), lambda i: (0, i, 0)),
          pl.BlockSpec((block_rows, D), lambda i: (i, 0)),
          pl.BlockSpec((block_rows, D), lambda i: (i, 0)),
      ],
      out_specs=[pl.BlockSpec((block_rows, D), lambda i: (i, 0))] * 4,
      out_shape=[shp, shp, shp, shp],
  )(degp, x_pad, m_pad)


def kernel(x, edge_index, mask):
  n, d = x.shape
  assert d == D
  e = edge_index.shape[1]
  num_iters = 40

  n_pad = ((n + NS * CEDGE - 1) // (NS * CEDGE)) * (NS * CEDGE)
  ch = (e + NW * CEDGE - 1) // (NW * CEDGE)
  e_pad = NW * ch * CEDGE

  row = edge_index[0].astype(jnp.int32)
  col = edge_index[1].astype(jnp.int32)
  pad = jnp.full((e_pad - e,), n, jnp.int32)
  colx = jnp.concatenate([col, pad]).reshape(NW, ch, CEDGE)
  rowx = jnp.concatenate([row, pad]).reshape(NW, ch, CEDGE)

  x_pad = jnp.pad(x, ((0, n_pad - n), (0, 0)))
  m_pad = jnp.pad(
      jnp.broadcast_to(mask.astype(jnp.float32)[:, None], (n, D)),
      ((0, n_pad - n), (0, 0)))

  step = _make_step(n_pad, ch)
  degk = _make_deg(n_pad, ch)
  block_rows = n_pad // 8

  degp = degk(colx)
  c0, c1, f0, f1 = _constants(degp, x_pad, m_pad, block_rows)

  def body(_, y):
    p = step(y, colx, rowx)
    return _combine(p, c0, c1, block_rows)

  y = lax.fori_loop(0, num_iters - 1, body, c0)
  p = step(y, colx, rowx)
  out = _combine(p, f0, f1, block_rows)
  return out[:n]

# --- scband reference (transcript-rebuilt; emitter-appended) ---
"""Pipeline reference for scband-feature-propagator-44384192037433 (READ-ONLY COPY).

The authoritative reference and input builder live on the scoring server;
editing this copy changes nothing except your own understanding.
"""

import jax, jax.numpy as jnp
import numpy as np

NUM_ITERATIONS = 40


def setup_inputs(seed: int = 0) -> dict:
    key = jax.random.key(seed)
    k1, k2, k3 = jax.random.split(key, 3)
    n_nodes = 10000
    n_edges = 320000
    d_feat = 128
    x = jax.random.normal(k1, (n_nodes, d_feat), dtype=jnp.float32)
    edge_index = jax.random.randint(k2, (2, n_edges), 0, n_nodes, dtype=jnp.int64)
    mask = jax.random.randint(k3, (n_nodes,), 0, 2, dtype=jnp.int32).astype(jnp.bool_)
    return {"x": x, "edge_index": edge_index, "mask": mask}


def _sym_norm_weights(edge_index, num_nodes):
    # edge_weight = ones(E); deg = scatter_add(ones, col); DAD = d^{-1/2}[row] * d^{-1/2}[col]
    row = edge_index[0]
    col = edge_index[1]
    edge_weight = jnp.ones((edge_index.shape[1],), dtype=jnp.float32)
    deg = jax.ops.segment_sum(edge_weight, col, num_segments=num_nodes)
    deg_inv_sqrt = jnp.power(deg, -0.5)
    deg_inv_sqrt = jnp.where(jnp.isinf(deg_inv_sqrt), 0.0, deg_inv_sqrt)
    return deg_inv_sqrt[row] * edge_weight * deg_inv_sqrt[col]


def reference(x, edge_index, mask):
    n_nodes = x.shape[0]
    row = edge_index[0]
    col = edge_index[1]
    # out = zeros_like(x); out[mask] = x[mask]
    out = jnp.where(mask[:, None], x, jnp.zeros_like(x))
    # adaptive_diffusion is False -> propagation matrix computed once
    dad = _sym_norm_weights(edge_index, n_nodes)
    for _ in range(NUM_ITERATIONS):
        # sparse mm: out_new[i] = sum_{edges e with row[e]==i} dad[e] * out[col[e]]
        msg = dad[:, None] * jnp.take(out, col, axis=0)
        out = jax.ops.segment_sum(msg, row, num_segments=n_nodes)
        # re-clamp known features: out[mask] = x[mask]
        out = jnp.where(mask[:, None], x, out)
    return out

if __name__ == "__main__":
    import jax
    _d = setup_inputs()
    print(jax.jit(kernel)(*tuple(_d.values())))

</pallas_src>

<mosaic_0001>
#map = affine_map<(d0, d1) -> (0, 0, 0)>
module attributes {stable_mosaic.version = 14 : i64} {
  func.func @deg(%arg0: i32, %arg1: i32, %arg2: memref<32x79x128xi32, #tpu.memory_space<hbm>>, %arg3: memref<2x10240x128xf32, #tpu.memory_space<hbm>>, %arg4: memref<79x128xi32, #tpu.memory_space<vmem>>, %arg5: memref<128x128xf32, #tpu.memory_space<vmem>>, %arg6: memref<10240x128xf32, #tpu.memory_space<vmem_shared>>) attributes {dimension_semantics = [#tpu.dimension_semantics<core_parallel>, #tpu.dimension_semantics<subcore_parallel>], iteration_bounds = array<i64: 2, 16>, scalar_prefetch = 0 : i64, scratch_operands = 3 : i64, tpu.core_type = #tpu.core_type<sc_vector_subcore>, window_params = [{transform_indices = #map}, {transform_indices = #map}]} {
    %mul3A = arith.constant 2 : i32
    %mul3A_0 = arith.muli %arg1, %mul3A : i32
    %add3A = arith.addi %mul3A_0, %arg0 : i32
    %mul3A_1 = arith.constant 640 : i32
    %mul3A_2 = arith.muli %arg1, %mul3A_1 : i32
    %broadcast_in_dim3A = arith.constant 0.000000e+00 : f32
    %broadcast_in_dim3A_3 = vector.broadcast %broadcast_in_dim3A : f32 to vector<16xf32>
    %scan3A = arith.constant 0 : i32
    %scan3A_4 = arith.constant 0 : i32
    %scan3A_5 = arith.constant 128 : i32
    %scan3A_6 = arith.addi %scan3A_4, %scan3A_5 : i32
    %scan3A_7 = arith.constant 1 : i32
    %scan3A_8 = scf.for %scan3A_37 = %scan3A_4 to %scan3A_6 step %scan3A_7 iter_args(%scan3A_38 = %scan3A) -> (i32)  : i32 {
      %swap3A = arith.index_cast %scan3A_37 : i32 to index
      %swap3A_39 = arith.constant 0 : index
      %swap3A_40 = tpu.vector_load %arg5[%swap3A, %swap3A_39] {strides = array<i32>} : memref<128x128xf32, #tpu.memory_space<vmem>>, vector<1x16xf32>,
      %swap3A_41 = vector.shape_cast %swap3A_40 : vector<1x16xf32> to vector<16xf32>
      %swap3A_42 = vector.shape_cast %broadcast_in_dim3A_3 : vector<16xf32> to vector<1x16xf32>
      tpu.vector_store %arg5[%swap3A, %swap3A_39], %swap3A_42 {strides = array<i32>} : memref<128x128xf32, #tpu.memory_space<vmem>>, vector<1x16xf32>,
      %swap3A_43 = arith.index_cast %scan3A_37 : i32 to index
      %swap3A_44 = arith.constant 16 : index
      %swap3A_45 = tpu.vector_load %arg5[%swap3A_43, %swap3A_44] {strides = array<i32>} : memref<128x128xf32, #tpu.memory_space<vmem>>, vector<1x16xf32>,
      %swap3A_46 = vector.shape_cast %swap3A_45 : vector<1x16xf32> to vector<16xf32>
      %swap3A_47 = vector.shape_cast %broadcast_in_dim3A_3 : vector<16xf32> to vector<1x16xf32>
      tpu.vector_store %arg5[%swap3A_43, %swap3A_44], %swap3A_47 {strides = array<i32>} : memref<128x128xf32, #tpu.memory_space<vmem>>, vector<1x16xf32>,
      %swap3A_48 = arith.index_cast %scan3A_37 : i32 to index
      %swap3A_49 = arith.constant 32 : index
      %swap3A_50 = tpu.vector_load %arg5[%swap3A_48, %swap3A_49] {strides = array<i32>} : memref<128x128xf32, #tpu.memory_space<vmem>>, vector<1x16xf32>,
      %swap3A_51 = vector.shape_cast %swap3A_50 : vector<1x16xf32> to vector<16xf32>
      %swap3A_52 = vector.shape_cast %broadcast_in_dim3A_3 : vector<16xf32> to vector<1x16xf32>
      tpu.vector_store %arg5[%swap3A_48, %swap3A_49], %swap3A_52 {strides = array<i32>} : memref<128x128xf32, #tpu.memory_space<vmem>>, vector<1x16xf32>,
      %swap3A_53 = arith.index_cast %scan3A_37 : i32 to index
      %swap3A_54 = arith.constant 48 : index
      %swap3A_55 = tpu.vector_load %arg5[%swap3A_53, %swap3A_54] {strides = array<i32>} : memref<128x128xf32, #tpu.memory_space<vmem>>, vector<1x16xf32>,
      %swap3A_56 = vector.shape_cast %swap3A_55 : vector<1x16xf32> to vector<16xf32>
      %swap3A_57 = vector.shape_cast %broadcast_in_dim3A_3 : vector<16xf32> to vector<1x16xf32>
      tpu.vector_store %arg5[%swap3A_53, %swap3A_54], %swap3A_57 {strides = array<i32>} : memref<128x128xf32, #tpu.memory_space<vmem>>, vector<1x16xf32>,
      %swap3A_58 = arith.index_cast %scan3A_37 : i32 to index
      %swap3A_59 = arith.constant 64 : index
      %swap3A_60 = tpu.vector_load %arg5[%swap3A_58, %swap3A_59] {strides = array<i32>} : memref<128x128xf32, #tpu.memory_space<vmem>>, vector<1x16xf32>,
      %swap3A_61 = vector.shape_cast %swap3A_60 : vector<1x16xf32> to vector<16xf32>
      %swap3A_62 = vector.shape_cast %broadcast_in_dim3A_3 : vector<16xf32> to vector<1x16xf32>
      tpu.vector_store %arg5[%swap3A_58, %swap3A_59], %swap3A_62 {strides = array<i32>} : memref<128x128xf32, #tpu.memory_space<vmem>>, vector<1x16xf32>,
      %swap3A_63 = arith.index_cast %scan3A_37 : i32 to index
      %swap3A_64 = arith.constant 80 : index
      %swap3A_65 = tpu.vector_load %arg5[%swap3A_63, %swap3A_64] {strides = array<i32>} : memref<128x128xf32, #tpu.memory_space<vmem>>, vector<1x16xf32>,
      %swap3A_66 = vector.shape_cast %swap3A_65 : vector<1x16xf32> to vector<16xf32>
      %swap3A_67 = vector.shape_cast %broadcast_in_dim3A_3 : vector<16xf32> to vector<1x16xf32>
      tpu.vector_store %arg5[%swap3A_63, %swap3A_64], %swap3A_67 {strides = array<i32>} : memref<128x128xf32, #tpu.memory_space<vmem>>, vector<1x16xf32>,
      %swap3A_68 = arith.index_cast %scan3A_37 : i32 to index
      %swap3A_69 = arith.constant 96 : index
      %swap3A_70 = tpu.vector_load %arg5[%swap3A_68, %swap3A_69] {strides = array<i32>} : memref<128x128xf32, #tpu.memory_space<vmem>>, vector<1x16xf32>,
      %swap3A_71 = vector.shape_cast %swap3A_70 : vector<1x16xf32> to vector<16xf32>
      %swap3A_72 = vector.shape_cast %broadcast_in_dim3A_3 : vector<16xf32> to vector<1x16xf32>
      tpu.vector_store %arg5[%swap3A_68, %swap3A_69], %swap3A_72 {strides = array<i32>} : memref<128x128xf32, #tpu.memory_space<vmem>>, vector<1x16xf32>,
      %swap3A_73 = arith.index_cast %scan3A_37 : i32 to index
      %swap3A_74 = arith.constant 112 : index
      %swap3A_75 = tpu.vector_load %arg5[%swap3A_73, %swap3A_74] {strides = array<i32>} : memref<128x128xf32, #tpu.memory_space<vmem>>, vector<1x16xf32>,
      %swap3A_76 = vector.shape_cast %swap3A_75 : vector<1x16xf32> to vector<16xf32>
      %swap3A_77 = vector.shape_cast %broadcast_in_dim3A_3 : vector<16xf32> to vector<1x16xf32>
      tpu.vector_store %arg5[%swap3A_73, %swap3A_74], %swap3A_77 {strides = array<i32>} : memref<128x128xf32, #tpu.memory_space<vmem>>, vector<1x16xf32>,
      %scan3A_78 = arith.constant 0 : i32
      scf.yield %scan3A_78 : i32
    }
    %scan3A_9 = arith.constant 128 : i32
    %add3A_10 = arith.constant 0 : i32
    %add3A_11 = arith.addi %mul3A_2, %add3A_10 : i32
    "tpu.region"() ({
      %run_scoped3A = tpu.sem_alloc : memref<!tpu.dma_semaphore, #tpu.memory_space<semaphore_mem>>
      %dma_start3A = arith.constant 0 : i32
      %dma_start3A_37 = tpu.memref_slice %arg6[%add3A_11, %dma_start3A] : memref<10240x128xf32, #tpu.memory_space<vmem_shared>> -> memref<128x128xf32, #tpu.memory_space<vmem_shared>>
      %dma_start3A_38 = arith.constant 0 : i32
      %dma_start3A_39 = tpu.memref_slice %arg6[%add3A_11, %dma_start3A_38] : memref<10240x128xf32, #tpu.memory_space<vmem_shared>> -> memref<128x128xf32, #tpu.memory_space<vmem_shared>>
      tpu.enqueue_dma source(%arg5 : memref<128x128xf32, #tpu.memory_space<vmem>>) target(%dma_start3A_39 : memref<128x128xf32, #tpu.memory_space<vmem_shared>>) target_semaphore(%run_scoped3A : memref<!tpu.dma_semaphore, #tpu.memory_space<semaphore_mem>>)
      %dma_wait3A = arith.constant 0 : i32
      %dma_wait3A_40 = tpu.memref_slice %arg6[%add3A_11, %dma_wait3A] : memref<10240x128xf32, #tpu.memory_space<vmem_shared>> -> memref<128x128xf32, #tpu.memory_space<vmem_shared>>
      %dma_wait3A_41 = arith.constant 0 : i32
      %dma_wait3A_42 = tpu.memref_slice %arg6[%add3A_11, %dma_wait3A_41] : memref<10240x128xf32, #tpu.memory_space<vmem_shared>> -> memref<128x128xf32, #tpu.memory_space<vmem_shared>>
      tpu.wait_dma2 semaphore(%run_scoped3A : memref<!tpu.dma_semaphore, #tpu.memory_space<semaphore_mem>>) src(%arg5 : memref<128x128xf32, #tpu.memory_space<vmem>>) dst(%dma_wait3A_42 : memref<128x128xf32, #tpu.memory_space<vmem_shared>>)
      tpu.yield
    }) : () -> ()
    %add3A_12 = arith.constant 128 : i32
    %add3A_13 = arith.addi %mul3A_2, %add3A_12 : i32
    "tpu.region"() ({
      %run_scoped3A = tpu.sem_alloc : memref<!tpu.dma_semaphore, #tpu.memory_space<semaphore_mem>>
      %dma_start3A = arith.constant 0 : i32
      %dma_start3A_37 = tpu.memref_slice %arg6[%add3A_13, %dma_start3A] : memref<10240x128xf32, #tpu.memory_space<vmem_shared>> -> memref<128x128xf32, #tpu.memory_space<vmem_shared>>
      %dma_start3A_38 = arith.constant 0 : i32
      %dma_start3A_39 = tpu.memref_slice %arg6[%add3A_13, %dma_start3A_38] : memref<10240x128xf32, #tpu.memory_space<vmem_shared>> -> memref<128x128xf32, #tpu.memory_space<vmem_shared>>
      tpu.enqueue_dma source(%arg5 : memref<128x128xf32, #tpu.memory_space<vmem>>) target(%dma_start3A_39 : memref<128x128xf32, #tpu.memory_space<vmem_shared>>) target_semaphore(%run_scoped3A : memref<!tpu.dma_semaphore, #tpu.memory_space<semaphore_mem>>)
      %dma_wait3A = arith.constant 0 : i32
      %dma_wait3A_40 = tpu.memref_slice %arg6[%add3A_13, %dma_wait3A] : memref<10240x128xf32, #tpu.memory_space<vmem_shared>> -> memref<128x128xf32, #tpu.memory_space<vmem_shared>>
      %dma_wait3A_41 = arith.constant 0 : i32
      %dma_wait3A_42 = tpu.memref_slice %arg6[%add3A_13, %dma_wait3A_41] : memref<10240x128xf32, #tpu.memory_space<vmem_shared>> -> memref<128x128xf32, #tpu.memory_space<vmem_shared>>
      tpu.wait_dma2 semaphore(%run_scoped3A : memref<!tpu.dma_semaphore, #tpu.memory_space<semaphore_mem>>) src(%arg5 : memref<128x128xf32, #tpu.memory_space<vmem>>) dst(%dma_wait3A_42 : memref<128x128xf32, #tpu.memory_space<vmem_shared>>)
      tpu.yield
    }) : () -> ()
    %add3A_14 = arith.constant 256 : i32
    %add3A_15 = arith.addi %mul3A_2, %add3A_14 : i32
    "tpu.region"() ({
      %run_scoped3A = tpu.sem_alloc : memref<!tpu.dma_semaphore, #tpu.memory_space<semaphore_mem>>
      %dma_start3A = arith.constant 0 : i32
      %dma_start3A_37 = tpu.memref_slice %arg6[%add3A_15, %dma_start3A] : memref<10240x128xf32, #tpu.memory_space<vmem_shared>> -> memref<128x128xf32, #tpu.memory_space<vmem_shared>>
      %dma_start3A_38 = arith.constant 0 : i32
      %dma_start3A_39 = tpu.memref_slice %arg6[%add3A_15, %dma_start3A_38] : memref<10240x128xf32, #tpu.memory_space<vmem_shared>> -> memref<128x128xf32, #tpu.memory_space<vmem_shared>>
      tpu.enqueue_dma source(%arg5 : memref<128x128xf32, #tpu.memory_space<vmem>>) target(%dma_start3A_39 : memref<128x128xf32, #tpu.memory_space<vmem_shared>>) target_semaphore(%run_scoped3A : memref<!tpu.dma_semaphore, #tpu.memory_space<semaphore_mem>>)
      %dma_wait3A = arith.constant 0 : i32
      %dma_wait3A_40 = tpu.memref_slice %arg6[%add3A_15, %dma_wait3A] : memref<10240x128xf32, #tpu.memory_space<vmem_shared>> -> memref<128x128xf32, #tpu.memory_space<vmem_shared>>
      %dma_wait3A_41 = arith.constant 0 : i32
      %dma_wait3A_42 = tpu.memref_slice %arg6[%add3A_15, %dma_wait3A_41] : memref<10240x128xf32, #tpu.memory_space<vmem_shared>> -> memref<128x128xf32, #tpu.memory_space<vmem_shared>>
      tpu.wait_dma2 semaphore(%run_scoped3A : memref<!tpu.dma_semaphore, #tpu.memory_space<semaphore_mem>>) src(%arg5 : memref<128x128xf32, #tpu.memory_space<vmem>>) dst(%dma_wait3A_42 : memref<128x128xf32, #tpu.memory_space<vmem_shared>>)
      tpu.yield
    }) : () -> ()
    %add3A_16 = arith.constant 384 : i32
    %add3A_17 = arith.addi %mul3A_2, %add3A_16 : i32
    "tpu.region"() ({
      %run_scoped3A = tpu.sem_alloc : memref<!tpu.dma_semaphore, #tpu.memory_space<semaphore_mem>>
      %dma_start3A = arith.constant 0 : i32
      %dma_start3A_37 = tpu.memref_slice %arg6[%add3A_17, %dma_start3A] : memref<10240x128xf32, #tpu.memory_space<vmem_shared>> -> memref<128x128xf32, #tpu.memory_space<vmem_shared>>
      %dma_start3A_38 = arith.constant 0 : i32
      %dma_start3A_39 = tpu.memref_slice %arg6[%add3A_17, %dma_start3A_38] : memref<10240x128xf32, #tpu.memory_space<vmem_shared>> -> memref<128x128xf32, #tpu.memory_space<vmem_shared>>
      tpu.enqueue_dma source(%arg5 : memref<128x128xf32, #tpu.memory_space<vmem>>) target(%dma_start3A_39 : memref<128x128xf32, #tpu.memory_space<vmem_shared>>) target_semaphore(%run_scoped3A : memref<!tpu.dma_semaphore, #tpu.memory_space<semaphore_mem>>)
      %dma_wait3A = arith.constant 0 : i32
      %dma_wait3A_40 = tpu.memref_slice %arg6[%add3A_17, %dma_wait3A] : memref<10240x128xf32, #tpu.memory_space<vmem_shared>> -> memref<128x128xf32, #tpu.memory_space<vmem_shared>>
      %dma_wait3A_41 = arith.constant 0 : i32
      %dma_wait3A_42 = tpu.memref_slice %arg6[%add3A_17, %dma_wait3A_41] : memref<10240x128xf32, #tpu.memory_space<vmem_shared>> -> memref<128x128xf32, #tpu.memory_space<vmem_shared>>
      tpu.wait_dma2 semaphore(%run_scoped3A : memref<!tpu.dma_semaphore, #tpu.memory_space<semaphore_mem>>) src(%arg5 : memref<128x128xf32, #tpu.memory_space<vmem>>) dst(%dma_wait3A_42 : memref<128x128xf32, #tpu.memory_space<vmem_shared>>)
      tpu.yield
    }) : () -> ()
    %add3A_18 = arith.constant 512 : i32
    %add3A_19 = arith.addi %mul3A_2, %add3A_18 : i32
    "tpu.region"() ({
      %run_scoped3A = tpu.sem_alloc : memref<!tpu.dma_semaphore, #tpu.memory_space<semaphore_mem>>
      %dma_start3A = arith.constant 0 : i32
      %dma_start3A_37 = tpu.memref_slice %arg6[%add3A_19, %dma_start3A] : memref<10240x128xf32, #tpu.memory_space<vmem_shared>> -> memref<128x128xf32, #tpu.memory_space<vmem_shared>>
      %dma_start3A_38 = arith.constant 0 : i32
      %dma_start3A_39 = tpu.memref_slice %arg6[%add3A_19, %dma_start3A_38] : memref<10240x128xf32, #tpu.memory_space<vmem_shared>> -> memref<128x128xf32, #tpu.memory_space<vmem_shared>>
      tpu.enqueue_dma source(%arg5 : memref<128x128xf32, #tpu.memory_space<vmem>>) target(%dma_start3A_39 : memref<128x128xf32, #tpu.memory_space<vmem_shared>>) target_semaphore(%run_scoped3A : memref<!tpu.dma_semaphore, #tpu.memory_space<semaphore_mem>>)
      %dma_wait3A = arith.constant 0 : i32
      %dma_wait3A_40 = tpu.memref_slice %arg6[%add3A_19, %dma_wait3A] : memref<10240x128xf32, #tpu.memory_space<vmem_shared>> -> memref<128x128xf32, #tpu.memory_space<vmem_shared>>
      %dma_wait3A_41 = arith.constant 0 : i32
      %dma_wait3A_42 = tpu.memref_slice %arg6[%add3A_19, %dma_wait3A_41] : memref<10240x128xf32, #tpu.memory_space<vmem_shared>> -> memref<128x128xf32, #tpu.memory_space<vmem_shared>>
      tpu.wait_dma2 semaphore(%run_scoped3A : memref<!tpu.dma_semaphore, #tpu.memory_space<semaphore_mem>>) src(%arg5 : memref<128x128xf32, #tpu.memory_space<vmem>>) dst(%dma_wait3A_42 : memref<128x128xf32, #tpu.memory_space<vmem_shared>>)
      tpu.yield
    }) : () -> ()
    %barrier3A = arith.constant 0 : index
    tpu.barrier barrier_id(%barrier3A)
    "tpu.region"() ({
      %run_scoped3A = tpu.sem_alloc : memref<!tpu.dma_semaphore, #tpu.memory_space<semaphore_mem>>
      %dma_start3A = arith.constant 0 : i32
      %dma_start3A_37 = arith.constant 0 : i32
      %dma_start3A_38 = tpu.memref_slice %arg2[%add3A, %dma_start3A, %dma_start3A_37] : memref<32x79x128xi32, #tpu.memory_space<hbm>> -> memref<1x79x128xi32, #tpu.memory_space<hbm>>
      %dma_start3A_39 = tpu.memref_squeeze %dma_start3A_38 : memref<1x79x128xi32, #tpu.memory_space<hbm>> -> memref<79x128xi32, #tpu.memory_space<hbm>>
      %dma_start3A_40 = arith.constant 0 : i32
      %dma_start3A_41 = arith.constant 0 : i32
      %dma_start3A_42 = tpu.memref_slice %arg2[%add3A, %dma_start3A_40, %dma_start3A_41] : memref<32x79x128xi32, #tpu.memory_space<hbm>> -> memref<1x79x128xi32, #tpu.memory_space<hbm>>
      %dma_start3A_43 = tpu.memref_squeeze %dma_start3A_42 : memref<1x79x128xi32, #tpu.memory_space<hbm>> -> memref<79x128xi32, #tpu.memory_space<hbm>>
      tpu.enqueue_dma source(%dma_start3A_43 : memref<79x128xi32, #tpu.memory_space<hbm>>) target(%arg4 : memref<79x128xi32, #tpu.memory_space<vmem>>) target_semaphore(%run_scoped3A : memref<!tpu.dma_semaphore, #tpu.memory_space<semaphore_mem>>)
      %dma_wait3A = arith.constant 0 : i32
      %dma_wait3A_44 = arith.constant 0 : i32
      %dma_wait3A_45 = tpu.memref_slice %arg2[%add3A, %dma_wait3A, %dma_wait3A_44] : memref<32x79x128xi32, #tpu.memory_space<hbm>> -> memref<1x79x128xi32, #tpu.memory_space<hbm>>
      %dma_wait3A_46 = tpu.memref_squeeze %dma_wait3A_45 : memref<1x79x128xi32, #tpu.memory_space<hbm>> -> memref<79x128xi32, #tpu.memory_space<hbm>>
      %dma_wait3A_47 = arith.constant 0 : i32
      %dma_wait3A_48 = arith.constant 0 : i32
      %dma_wait3A_49 = tpu.memref_slice %arg2[%add3A, %dma_wait3A_47, %dma_wait3A_48] : memref<32x79x128xi32, #tpu.memory_space<hbm>> -> memref<1x79x128xi32, #tpu.memory_space<hbm>>
      %dma_wait3A_50 = tpu.memref_squeeze %dma_wait3A_49 : memref<1x79x128xi32, #tpu.memory_space<hbm>> -> memref<79x128xi32, #tpu.memory_space<hbm>>
      tpu.wait_dma2 semaphore(%run_scoped3A : memref<!tpu.dma_semaphore, #tpu.memory_space<semaphore_mem>>) src(%dma_wait3A_50 : memref<79x128xi32, #tpu.memory_space<hbm>>) dst(%arg4 : memref<79x128xi32, #tpu.memory_space<vmem>>)
      tpu.yield
    }) : () -> ()
    %broadcast_in_dim3A_20 = arith.constant 1.000000e+00 : f32
    %broadcast_in_dim3A_21 = vector.broadcast %broadcast_in_dim3A_20 : f32 to vector<16xf32>
    %scan3A_22 = arith.constant 0 : i32
    %scan3A_23 = arith.constant 0 : i32
    %scan3A_24 = arith.constant 128 : i32
    %scan3A_25 = arith.addi %scan3A_23, %scan3A_24 : i32
    %scan3A_26 = arith.constant 1 : i32
    %scan3A_27 = scf.for %scan3A_37 = %scan3A_23 to %scan3A_25 step %scan3A_26 iter_args(%scan3A_38 = %scan3A_22) -> (i32)  : i32 {
      %swap3A = arith.index_cast %scan3A_37 : i32 to index
      %swap3A_39 = arith.constant 0 : index
      %swap3A_40 = tpu.vector_load %arg5[%swap3A, %swap3A_39] {strides = array<i32>} : memref<128x128xf32, #tpu.memory_space<vmem>>, vector<1x16xf32>,
      %swap3A_41 = vector.shape_cast %swap3A_40 : vector<1x16xf32> to vector<16xf32>
      %swap3A_42 = vector.shape_cast %broadcast_in_dim3A_21 : vector<16xf32> to vector<1x16xf32>
      tpu.vector_store %arg5[%swap3A, %swap3A_39], %swap3A_42 {strides = array<i32>} : memref<128x128xf32, #tpu.memory_space<vmem>>, vector<1x16xf32>,
      %swap3A_43 = arith.index_cast %scan3A_37 : i32 to index
      %swap3A_44 = arith.constant 16 : index
      %swap3A_45 = tpu.vector_load %arg5[%swap3A_43, %swap3A_44] {strides = array<i32>} : memref<128x128xf32, #tpu.memory_space<vmem>>, vector<1x16xf32>,
      %swap3A_46 = vector.shape_cast %swap3A_45 : vector<1x16xf32> to vector<16xf32>
      %swap3A_47 = vector.shape_cast %broadcast_in_dim3A_21 : vector<16xf32> to vector<1x16xf32>
      tpu.vector_store %arg5[%swap3A_43, %swap3A_44], %swap3A_47 {strides = array<i32>} : memref<128x128xf32, #tpu.memory_space<vmem>>, vector<1x16xf32>,
      %swap3A_48 = arith.index_cast %scan3A_37 : i32 to index
      %swap3A_49 = arith.constant 32 : index
      %swap3A_50 = tpu.vector_load %arg5[%swap3A_48, %swap3A_49] {strides = array<i32>} : memref<128x128xf32, #tpu.memory_space<vmem>>, vector<1x16xf32>,
      %swap3A_51 = vector.shape_cast %swap3A_50 : vector<1x16xf32> to vector<16xf32>
      %swap3A_52 = vector.shape_cast %broadcast_in_dim3A_21 : vector<16xf32> to vector<1x16xf32>
      tpu.vector_store %arg5[%swap3A_48, %swap3A_49], %swap3A_52 {strides = array<i32>} : memref<128x128xf32, #tpu.memory_space<vmem>>, vector<1x16xf32>,
      %swap3A_53 = arith.index_cast %scan3A_37 : i32 to index
      %swap3A_54 = arith.constant 48 : index
      %swap3A_55 = tpu.vector_load %arg5[%swap3A_53, %swap3A_54] {strides = array<i32>} : memref<128x128xf32, #tpu.memory_space<vmem>>, vector<1x16xf32>,
      %swap3A_56 = vector.shape_cast %swap3A_55 : vector<1x16xf32> to vector<16xf32>
      %swap3A_57 = vector.shape_cast %broadcast_in_dim3A_21 : vector<16xf32> to vector<1x16xf32>
      tpu.vector_store %arg5[%swap3A_53, %swap3A_54], %swap3A_57 {strides = array<i32>} : memref<128x128xf32, #tpu.memory_space<vmem>>, vector<1x16xf32>,
      %swap3A_58 = arith.index_cast %scan3A_37 : i32 to index
      %swap3A_59 = arith.constant 64 : index
      %swap3A_60 = tpu.vector_load %arg5[%swap3A_58, %swap3A_59] {strides = array<i32>} : memref<128x128xf32, #tpu.memory_space<vmem>>, vector<1x16xf32>,
      %swap3A_61 = vector.shape_cast %swap3A_60 : vector<1x16xf32> to vector<16xf32>
      %swap3A_62 = vector.shape_cast %broadcast_in_dim3A_21 : vector<16xf32> to vector<1x16xf32>
      tpu.vector_store %arg5[%swap3A_58, %swap3A_59], %swap3A_62 {strides = array<i32>} : memref<128x128xf32, #tpu.memory_space<vmem>>, vector<1x16xf32>,
      %swap3A_63 = arith.index_cast %scan3A_37 : i32 to index
      %swap3A_64 = arith.constant 80 : index
      %swap3A_65 = tpu.vector_load %arg5[%swap3A_63, %swap3A_64] {strides = array<i32>} : memref<128x128xf32, #tpu.memory_space<vmem>>, vector<1x16xf32>,
      %swap3A_66 = vector.shape_cast %swap3A_65 : vector<1x16xf32> to vector<16xf32>
      %swap3A_67 = vector.shape_cast %broadcast_in_dim3A_21 : vector<16xf32> to vector<1x16xf32>
      tpu.vector_store %arg5[%swap3A_63, %swap3A_64], %swap3A_67 {strides = array<i32>} : memref<128x128xf32, #tpu.memory_space<vmem>>, vector<1x16xf32>,
      %swap3A_68 = arith.index_cast %scan3A_37 : i32 to index
      %swap3A_69 = arith.constant 96 : index
      %swap3A_70 = tpu.vector_load %arg5[%swap3A_68, %swap3A_69] {strides = array<i32>} : memref<128x128xf32, #tpu.memory_space<vmem>>, vector<1x16xf32>,
      %swap3A_71 = vector.shape_cast %swap3A_70 : vector<1x16xf32> to vector<16xf32>
      %swap3A_72 = vector.shape_cast %broadcast_in_dim3A_21 : vector<16xf32> to vector<1x16xf32>
      tpu.vector_store %arg5[%swap3A_68, %swap3A_69], %swap3A_72 {strides = array<i32>} : memref<128x128xf32, #tpu.memory_space<vmem>>, vector<1x16xf32>,
      %swap3A_73 = arith.index_cast %scan3A_37 : i32 to index
      %swap3A_74 = arith.constant 112 : index
      %swap3A_75 = tpu.vector_load %arg5[%swap3A_73, %swap3A_74] {strides = array<i32>} : memref<128x128xf32, #tpu.memory_space<vmem>>, vector<1x16xf32>,
      %swap3A_76 = vector.shape_cast %swap3A_75 : vector<1x16xf32> to vector<16xf32>
      %swap3A_77 = vector.shape_cast %broadcast_in_dim3A_21 : vector<16xf32> to vector<1x16xf32>
      tpu.vector_store %arg5[%swap3A_73, %swap3A_74], %swap3A_77 {strides = array<i32>} : memref<128x128xf32, #tpu.memory_space<vmem>>, vector<1x16xf32>,
      %scan3A_78 = arith.constant 0 : i32
      scf.yield %scan3A_78 : i32
    }
    %scan3A_28 = arith.constant 128 : i32
    %scan3A_29 = arith.constant 0 : i32
    %scan3A_30 = arith.constant 0 : i32
    %scan3A_31 = arith.constant 79 : i32
    %scan3A_32 = arith.addi %scan3A_30, %scan3A_31 : i32
    %scan3A_33 = arith.constant 1 : i32
    %scan3A_34 = scf.for %scan3A_37 = %scan3A_30 to %scan3A_32 step %scan3A_33 iter_args(%scan3A_38 = %scan3A_29) -> (i32)  : i32 {
      "tpu.region"() ({
        %run_scoped3A = tpu.sem_alloc : memref<!tpu.dma_semaphore, #tpu.memory_space<semaphore_mem>>
        %dma_start3A = arith.constant 0 : i32
        %dma_start3A_40 = tpu.memref_slice %arg4[%scan3A_37, %dma_start3A] : memref<79x128xi32, #tpu.memory_space<vmem>> -> memref<1x128xi32, #tpu.memory_space<vmem>>
        %dma_start3A_41 = tpu.memref_squeeze %dma_start3A_40 : memref<1x128xi32, #tpu.memory_space<vmem>> -> memref<128xi32, #tpu.memory_space<vmem>>
        %dma_start3A_42 = arith.constant 0 : i32
        %dma_start3A_43 = arith.constant 0 : i32
        %dma_start3A_44 = tpu.memref_slice %arg6[%dma_start3A_42, %dma_start3A_43] : memref<10240x128xf32, #tpu.memory_space<vmem_shared>> -> memref<10240x128xf32, #tpu.memory_space<vmem_shared>>
        tpu.enqueue_indirect_dma source(%arg5 : memref<128x128xf32, #tpu.memory_space<vmem>>) target(%dma_start3A_44 : memref<10240x128xf32, #tpu.memory_space<vmem_shared>>) offsets(%dma_start3A_41 : memref<128xi32, #tpu.memory_space<vmem>>) semaphore(%run_scoped3A : memref<!tpu.dma_semaphore, #tpu.memory_space<semaphore_mem>>) {add = true}
        %dma_wait3A = arith.constant 0 : i32
        %dma_wait3A_45 = tpu.memref_slice %arg4[%scan3A_37, %dma_wait3A] : memref<79x128xi32, #tpu.memory_space<vmem>> -> memref<1x128xi32, #tpu.memory_space<vmem>>
        %dma_wait3A_46 = tpu.memref_squeeze %dma_wait3A_45 : memref<1x128xi32, #tpu.memory_space<vmem>> -> memref<128xi32, #tpu.memory_space<vmem>>
        %dma_wait3A_47 = arith.constant 0 : i32
        %dma_wait3A_48 = arith.constant 0 : i32
        %dma_wait3A_49 = tpu.memref_slice %arg6[%dma_wait3A_47, %dma_wait3A_48] : memref<10240x128xf32, #tpu.memory_space<vmem_shared>> -> memref<10240x128xf32, #tpu.memory_space<vmem_shared>>
        tpu.wait_indirect_dma semaphore(%run_scoped3A : memref<!tpu.dma_semaphore, #tpu.memory_space<semaphore_mem>>) src(%arg5 : memref<128x128xf32, #tpu.memory_space<vmem>>) dst(%dma_wait3A_49 : memref<10240x128xf32, #tpu.memory_space<vmem_shared>>)
        tpu.yield
      }) : () -> ()
      %scan3A_39 = arith.constant 0 : i32
      scf.yield %scan3A_39 : i32
    }
    %scan3A_35 = arith.constant 79 : i32
    %barrier3A_36 = arith.constant 0 : index
    tpu.barrier barrier_id(%barrier3A_36)
    "tpu.region"() ({
      %run_scoped3A = tpu.sem_alloc : memref<!tpu.dma_semaphore, #tpu.memory_space<semaphore_mem>>
      %dma_start3A = arith.constant 0 : i32
      %dma_start3A_37 = tpu.memref_slice %arg3[%arg0, %mul3A_2, %dma_start3A] : memref<2x10240x128xf32, #tpu.memory_space<hbm>> -> memref<1x640x128xf32, #tpu.memory_space<hbm>>
      %dma_start3A_38 = tpu.memref_squeeze %dma_start3A_37 : memref<1x640x128xf32, #tpu.memory_space<hbm>> -> memref<640x128xf32, #tpu.memory_space<hbm>>
      %dma_start3A_39 = arith.constant 0 : i32
      %dma_start3A_40 = tpu.memref_slice %arg6[%mul3A_2, %dma_start3A_39] : memref<10240x128xf32, #tpu.memory_space<vmem_shared>> -> memref<640x128xf32, #tpu.memory_space<vmem_shared>>
      tpu.enqueue_dma source(%dma_start3A_40 : memref<640x128xf32, #tpu.memory_space<vmem_shared>>) target(%dma_start3A_38 : memref<640x128xf32, #tpu.memory_space<hbm>>) target_semaphore(%run_scoped3A : memref<!tpu.dma_semaphore, #tpu.memory_space<semaphore_mem>>)
      %dma_wait3A = arith.constant 0 : i32
      %dma_wait3A_41 = tpu.memref_slice %arg3[%arg0, %mul3A_2, %dma_wait3A] : memref<2x10240x128xf32, #tpu.memory_space<hbm>> -> memref<1x640x128xf32, #tpu.memory_space<hbm>>
      %dma_wait3A_42 = tpu.memref_squeeze %dma_wait3A_41 : memref<1x640x128xf32, #tpu.memory_space<hbm>> -> memref<640x128xf32, #tpu.memory_space<hbm>>
      %dma_wait3A_43 = arith.constant 0 : i32
      %dma_wait3A_44 = tpu.memref_slice %arg6[%mul3A_2, %dma_wait3A_43] : memref<10240x128xf32, #tpu.memory_space<vmem_shared>> -> memref<640x128xf32, #tpu.memory_space<vmem_shared>>
      tpu.wait_dma2 semaphore(%run_scoped3A : memref<!tpu.dma_semaphore, #tpu.memory_space<semaphore_mem>>) src(%dma_wait3A_44 : memref<640x128xf32, #tpu.memory_space<vmem_shared>>) dst(%dma_wait3A_42 : memref<640x128xf32, #tpu.memory_space<hbm>>)
      tpu.yield
    }) : () -> ()
    return
  }
}

#map = affine_map<(d0, d1) -> (0, 0)>
#map1 = affine_map<(d0, d1) -> (0, 0, 0)>
module attributes {stable_mosaic.version = 14 : i64} {
  func.func @step(%arg0: i32, %arg1: i32, %arg2: memref<10240x128xf32, #tpu.memory_space<hbm>>, %arg3: memref<32x79x128xi32, #tpu.memory_space<hbm>>, %arg4: memref<32x79x128xi32, #tpu.memory_space<hbm>>, %arg5: memref<2x10240x128xf32, #tpu.memory_space<hbm>>, %arg6: memref<79x128xi32, #tpu.memory_space<vmem>>, %arg7: memref<79x128xi32, #tpu.memory_space<vmem>>, %arg8: memref<128x128xf32, #tpu.memory_space<vmem>>, %arg9: memref<10240x128xf32, #tpu.memory_space<vmem_shared>>, %arg10: memref<!tpu.dma_semaphore, #tpu.memory_space<semaphore_mem>>) attributes {dimension_semantics = [#tpu.dimension_semantics<core_parallel>, #tpu.dimension_semantics<subcore_parallel>], iteration_bounds = array<i64: 2, 16>, scalar_prefetch = 0 : i64, scratch_operands = 5 : i64, tpu.core_type = #tpu.core_type<sc_vector_subcore>, window_params = [{transform_indices = #map}, {transform_indices = #map1}, {transform_indices = #map1}, {transform_indices = #map1}]} {
    %mul3A = arith.constant 2 : i32
    %mul3A_0 = arith.muli %arg1, %mul3A : i32
    %add3A = arith.addi %mul3A_0, %arg0 : i32
    %mul3A_1 = arith.constant 640 : i32
    %mul3A_2 = arith.muli %arg1, %mul3A_1 : i32
    %broadcast_in_dim3A = arith.constant 0.000000e+00 : f32
    %broadcast_in_dim3A_3 = vector.broadcast %broadcast_in_dim3A : f32 to vector<16xf32>
    %scan3A = arith.constant 0 : i32
    %scan3A_4 = arith.constant 0 : i32
    %scan3A_5 = arith.constant 128 : i32
    %scan3A_6 = arith.addi %scan3A_4, %scan3A_5 : i32
    %scan3A_7 = arith.constant 1 : i32
    %scan3A_8 = scf.for %scan3A_28 = %scan3A_4 to %scan3A_6 step %scan3A_7 iter_args(%scan3A_29 = %scan3A) -> (i32)  : i32 {
      %swap3A = arith.index_cast %scan3A_28 : i32 to index
      %swap3A_30 = arith.constant 0 : index
      %swap3A_31 = tpu.vector_load %arg8[%swap3A, %swap3A_30] {strides = array<i32>} : memref<128x128xf32, #tpu.memory_space<vmem>>, vector<1x16xf32>,
      %swap3A_32 = vector.shape_cast %swap3A_31 : vector<1x16xf32> to vector<16xf32>
      %swap3A_33 = vector.shape_cast %broadcast_in_dim3A_3 : vector<16xf32> to vector<1x16xf32>
      tpu.vector_store %arg8[%swap3A, %swap3A_30], %swap3A_33 {strides = array<i32>} : memref<128x128xf32, #tpu.memory_space<vmem>>, vector<1x16xf32>,
      %swap3A_34 = arith.index_cast %scan3A_28 : i32 to index
      %swap3A_35 = arith.constant 16 : index
      %swap3A_36 = tpu.vector_load %arg8[%swap3A_34, %swap3A_35] {strides = array<i32>} : memref<128x128xf32, #tpu.memory_space<vmem>>, vector<1x16xf32>,
      %swap3A_37 = vector.shape_cast %swap3A_36 : vector<1x16xf32> to vector<16xf32>
      %swap3A_38 = vector.shape_cast %broadcast_in_dim3A_3 : vector<16xf32> to vector<1x16xf32>
      tpu.vector_store %arg8[%swap3A_34, %swap3A_35], %swap3A_38 {strides = array<i32>} : memref<128x128xf32, #tpu.memory_space<vmem>>, vector<1x16xf32>,
      %swap3A_39 = arith.index_cast %scan3A_28 : i32 to index
      %swap3A_40 = arith.constant 32 : index
      %swap3A_41 = tpu.vector_load %arg8[%swap3A_39, %swap3A_40] {strides = array<i32>} : memref<128x128xf32, #tpu.memory_space<vmem>>, vector<1x16xf32>,
      %swap3A_42 = vector.shape_cast %swap3A_41 : vector<1x16xf32> to vector<16xf32>
      %swap3A_43 = vector.shape_cast %broadcast_in_dim3A_3 : vector<16xf32> to vector<1x16xf32>
      tpu.vector_store %arg8[%swap3A_39, %swap3A_40], %swap3A_43 {strides = array<i32>} : memref<128x128xf32, #tpu.memory_space<vmem>>, vector<1x16xf32>,
      %swap3A_44 = arith.index_cast %scan3A_28 : i32 to index
      %swap3A_45 = arith.constant 48 : index
      %swap3A_46 = tpu.vector_load %arg8[%swap3A_44, %swap3A_45] {strides = array<i32>} : memref<128x128xf32, #tpu.memory_space<vmem>>, vector<1x16xf32>,
      %swap3A_47 = vector.shape_cast %swap3A_46 : vector<1x16xf32> to vector<16xf32>
      %swap3A_48 = vector.shape_cast %broadcast_in_dim3A_3 : vector<16xf32> to vector<1x16xf32>
      tpu.vector_store %arg8[%swap3A_44, %swap3A_45], %swap3A_48 {strides = array<i32>} : memref<128x128xf32, #tpu.memory_space<vmem>>, vector<1x16xf32>,
      %swap3A_49 = arith.index_cast %scan3A_28 : i32 to index
      %swap3A_50 = arith.constant 64 : index
      %swap3A_51 = tpu.vector_load %arg8[%swap3A_49, %swap3A_50] {strides = array<i32>} : memref<128x128xf32, #tpu.memory_space<vmem>>, vector<1x16xf32>,
      %swap3A_52 = vector.shape_cast %swap3A_51 : vector<1x16xf32> to vector<16xf32>
      %swap3A_53 = vector.shape_cast %broadcast_in_dim3A_3 : vector<16xf32> to vector<1x16xf32>
      tpu.vector_store %arg8[%swap3A_49, %swap3A_50], %swap3A_53 {strides = array<i32>} : memref<128x128xf32, #tpu.memory_space<vmem>>, vector<1x16xf32>,
      %swap3A_54 = arith.index_cast %scan3A_28 : i32 to index
      %swap3A_55 = arith.constant 80 : index
      %swap3A_56 = tpu.vector_load %arg8[%swap3A_54, %swap3A_55] {strides = array<i32>} : memref<128x128xf32, #tpu.memory_space<vmem>>, vector<1x16xf32>,
      %swap3A_57 = vector.shape_cast %swap3A_56 : vector<1x16xf32> to vector<16xf32>
      %swap3A_58 = vector.shape_cast %broadcast_in_dim3A_3 : vector<16xf32> to vector<1x16xf32>
      tpu.vector_store %arg8[%swap3A_54, %swap3A_55], %swap3A_58 {strides = array<i32>} : memref<128x128xf32, #tpu.memory_space<vmem>>, vector<1x16xf32>,
      %swap3A_59 = arith.index_cast %scan3A_28 : i32 to index
      %swap3A_60 = arith.constant 96 : index
      %swap3A_61 = tpu.vector_load %arg8[%swap3A_59, %swap3A_60] {strides = array<i32>} : memref<128x128xf32, #tpu.memory_space<vmem>>, vector<1x16xf32>,
      %swap3A_62 = vector.shape_cast %swap3A_61 : vector<1x16xf32> to vector<16xf32>
      %swap3A_63 = vector.shape_cast %broadcast_in_dim3A_3 : vector<16xf32> to vector<1x16xf32>
      tpu.vector_store %arg8[%swap3A_59, %swap3A_60], %swap3A_63 {strides = array<i32>} : memref<128x128xf32, #tpu.memory_space<vmem>>, vector<1x16xf32>,
      %swap3A_64 = arith.index_cast %scan3A_28 : i32 to index
      %swap3A_65 = arith.constant 112 : index
      %swap3A_66 = tpu.vector_load %arg8[%swap3A_64, %swap3A_65] {strides = array<i32>} : memref<128x128xf32, #tpu.memory_space<vmem>>, vector<1x16xf32>,
      %swap3A_67 = vector.shape_cast %swap3A_66 : vector<1x16xf32> to vector<16xf32>
      %swap3A_68 = vector.shape_cast %broadcast_in_dim3A_3 : vector<16xf32> to vector<1x16xf32>
      tpu.vector_store %arg8[%swap3A_64, %swap3A_65], %swap3A_68 {strides = array<i32>} : memref<128x128xf32, #tpu.memory_space<vmem>>, vector<1x16xf32>,
      %scan3A_69 = arith.constant 0 : i32
      scf.yield %scan3A_69 : i32
    }
    %scan3A_9 = arith.constant 128 : i32
    %add3A_10 = arith.constant 0 : i32
    %add3A_11 = arith.addi %mul3A_2, %add3A_10 : i32
    "tpu.region"() ({
      %run_scoped3A = tpu.sem_alloc : memref<!tpu.dma_semaphore, #tpu.memory_space<semaphore_mem>>
      %dma_start3A = arith.constant 0 : i32
      %dma_start3A_28 = tpu.memref_slice %arg9[%add3A_11, %dma_start3A] : memref<10240x128xf32, #tpu.memory_space<vmem_shared>> -> memref<128x128xf32, #tpu.memory_space<vmem_shared>>
      %dma_start3A_29 = arith.constant 0 : i32
      %dma_start3A_30 = tpu.memref_slice %arg9[%add3A_11, %dma_start3A_29] : memref<10240x128xf32, #tpu.memory_space<vmem_shared>> -> memref<128x128xf32, #tpu.memory_space<vmem_shared>>
      tpu.enqueue_dma source(%arg8 : memref<128x128xf32, #tpu.memory_space<vmem>>) target(%dma_start3A_30 : memref<128x128xf32, #tpu.memory_space<vmem_shared>>) target_semaphore(%run_scoped3A : memref<!tpu.dma_semaphore, #tpu.memory_space<semaphore_mem>>)
      %dma_wait3A = arith.constant 0 : i32
      %dma_wait3A_31 = tpu.memref_slice %arg9[%add3A_11, %dma_wait3A] : memref<10240x128xf32, #tpu.memory_space<vmem_shared>> -> memref<128x128xf32, #tpu.memory_space<vmem_shared>>
      %dma_wait3A_32 = arith.constant 0 : i32
      %dma_wait3A_33 = tpu.memref_slice %arg9[%add3A_11, %dma_wait3A_32] : memref<10240x128xf32, #tpu.memory_space<vmem_shared>> -> memref<128x128xf32, #tpu.memory_space<vmem_shared>>
      tpu.wait_dma2 semaphore(%run_scoped3A : memref<!tpu.dma_semaphore, #tpu.memory_space<semaphore_mem>>) src(%arg8 : memref<128x128xf32, #tpu.memory_space<vmem>>) dst(%dma_wait3A_33 : memref<128x128xf32, #tpu.memory_space<vmem_shared>>)
      tpu.yield
    }) : () -> ()
    %add3A_12 = arith.constant 128 : i32
    %add3A_13 = arith.addi %mul3A_2, %add3A_12 : i32
    "tpu.region"() ({
      %run_scoped3A = tpu.sem_alloc : memref<!tpu.dma_semaphore, #tpu.memory_space<semaphore_mem>>
      %dma_start3A = arith.constant 0 : i32
      %dma_start3A_28 = tpu.memref_slice %arg9[%add3A_13, %dma_start3A] : memref<10240x128xf32, #tpu.memory_space<vmem_shared>> -> memref<128x128xf32, #tpu.memory_space<vmem_shared>>
      %dma_start3A_29 = arith.constant 0 : i32
      %dma_start3A_30 = tpu.memref_slice %arg9[%add3A_13, %dma_start3A_29] : memref<10240x128xf32, #tpu.memory_space<vmem_shared>> -> memref<128x128xf32, #tpu.memory_space<vmem_shared>>
      tpu.enqueue_dma source(%arg8 : memref<128x128xf32, #tpu.memory_space<vmem>>) target(%dma_start3A_30 : memref<128x128xf32, #tpu.memory_space<vmem_shared>>) target_semaphore(%run_scoped3A : memref<!tpu.dma_semaphore, #tpu.memory_space<semaphore_mem>>)
      %dma_wait3A = arith.constant 0 : i32
      %dma_wait3A_31 = tpu.memref_slice %arg9[%add3A_13, %dma_wait3A] : memref<10240x128xf32, #tpu.memory_space<vmem_shared>> -> memref<128x128xf32, #tpu.memory_space<vmem_shared>>
      %dma_wait3A_32 = arith.constant 0 : i32
      %dma_wait3A_33 = tpu.memref_slice %arg9[%add3A_13, %dma_wait3A_32] : memref<10240x128xf32, #tpu.memory_space<vmem_shared>> -> memref<128x128xf32, #tpu.memory_space<vmem_shared>>
      tpu.wait_dma2 semaphore(%run_scoped3A : memref<!tpu.dma_semaphore, #tpu.memory_space<semaphore_mem>>) src(%arg8 : memref<128x128xf32, #tpu.memory_space<vmem>>) dst(%dma_wait3A_33 : memref<128x128xf32, #tpu.memory_space<vmem_shared>>)
      tpu.yield
    }) : () -> ()
    %add3A_14 = arith.constant 256 : i32
    %add3A_15 = arith.addi %mul3A_2, %add3A_14 : i32
    "tpu.region"() ({
      %run_scoped3A = tpu.sem_alloc : memref<!tpu.dma_semaphore, #tpu.memory_space<semaphore_mem>>
      %dma_start3A = arith.constant 0 : i32
      %dma_start3A_28 = tpu.memref_slice %arg9[%add3A_15, %dma_start3A] : memref<10240x128xf32, #tpu.memory_space<vmem_shared>> -> memref<128x128xf32, #tpu.memory_space<vmem_shared>>
      %dma_start3A_29 = arith.constant 0 : i32
      %dma_start3A_30 = tpu.memref_slice %arg9[%add3A_15, %dma_start3A_29] : memref<10240x128xf32, #tpu.memory_space<vmem_shared>> -> memref<128x128xf32, #tpu.memory_space<vmem_shared>>
      tpu.enqueue_dma source(%arg8 : memref<128x128xf32, #tpu.memory_space<vmem>>) target(%dma_start3A_30 : memref<128x128xf32, #tpu.memory_space<vmem_shared>>) target_semaphore(%run_scoped3A : memref<!tpu.dma_semaphore, #tpu.memory_space<semaphore_mem>>)
      %dma_wait3A = arith.constant 0 : i32
      %dma_wait3A_31 = tpu.memref_slice %arg9[%add3A_15, %dma_wait3A] : memref<10240x128xf32, #tpu.memory_space<vmem_shared>> -> memref<128x128xf32, #tpu.memory_space<vmem_shared>>
      %dma_wait3A_32 = arith.constant 0 : i32
      %dma_wait3A_33 = tpu.memref_slice %arg9[%add3A_15, %dma_wait3A_32] : memref<10240x128xf32, #tpu.memory_space<vmem_shared>> -> memref<128x128xf32, #tpu.memory_space<vmem_shared>>
      tpu.wait_dma2 semaphore(%run_scoped3A : memref<!tpu.dma_semaphore, #tpu.memory_space<semaphore_mem>>) src(%arg8 : memref<128x128xf32, #tpu.memory_space<vmem>>) dst(%dma_wait3A_33 : memref<128x128xf32, #tpu.memory_space<vmem_shared>>)
      tpu.yield
    }) : () -> ()
    %add3A_16 = arith.constant 384 : i32
    %add3A_17 = arith.addi %mul3A_2, %add3A_16 : i32
    "tpu.region"() ({
      %run_scoped3A = tpu.sem_alloc : memref<!tpu.dma_semaphore, #tpu.memory_space<semaphore_mem>>
      %dma_start3A = arith.constant 0 : i32
      %dma_start3A_28 = tpu.memref_slice %arg9[%add3A_17, %dma_start3A] : memref<10240x128xf32, #tpu.memory_space<vmem_shared>> -> memref<128x128xf32, #tpu.memory_space<vmem_shared>>
      %dma_start3A_29 = arith.constant 0 : i32
      %dma_start3A_30 = tpu.memref_slice %arg9[%add3A_17, %dma_start3A_29] : memref<10240x128xf32, #tpu.memory_space<vmem_shared>> -> memref<128x128xf32, #tpu.memory_space<vmem_shared>>
      tpu.enqueue_dma source(%arg8 : memref<128x128xf32, #tpu.memory_space<vmem>>) target(%dma_start3A_30 : memref<128x128xf32, #tpu.memory_space<vmem_shared>>) target_semaphore(%run_scoped3A : memref<!tpu.dma_semaphore, #tpu.memory_space<semaphore_mem>>)
      %dma_wait3A = arith.constant 0 : i32
      %dma_wait3A_31 = tpu.memref_slice %arg9[%add3A_17, %dma_wait3A] : memref<10240x128xf32, #tpu.memory_space<vmem_shared>> -> memref<128x128xf32, #tpu.memory_space<vmem_shared>>
      %dma_wait3A_32 = arith.constant 0 : i32
      %dma_wait3A_33 = tpu.memref_slice %arg9[%add3A_17, %dma_wait3A_32] : memref<10240x128xf32, #tpu.memory_space<vmem_shared>> -> memref<128x128xf32, #tpu.memory_space<vmem_shared>>
      tpu.wait_dma2 semaphore(%run_scoped3A : memref<!tpu.dma_semaphore, #tpu.memory_space<semaphore_mem>>) src(%arg8 : memref<128x128xf32, #tpu.memory_space<vmem>>) dst(%dma_wait3A_33 : memref<128x128xf32, #tpu.memory_space<vmem_shared>>)
      tpu.yield
    }) : () -> ()
    %add3A_18 = arith.constant 512 : i32
    %add3A_19 = arith.addi %mul3A_2, %add3A_18 : i32
    "tpu.region"() ({
      %run_scoped3A = tpu.sem_alloc : memref<!tpu.dma_semaphore, #tpu.memory_space<semaphore_mem>>
      %dma_start3A = arith.constant 0 : i32
      %dma_start3A_28 = tpu.memref_slice %arg9[%add3A_19, %dma_start3A] : memref<10240x128xf32, #tpu.memory_space<vmem_shared>> -> memref<128x128xf32, #tpu.memory_space<vmem_shared>>
      %dma_start3A_29 = arith.constant 0 : i32
      %dma_start3A_30 = tpu.memref_slice %arg9[%add3A_19, %dma_start3A_29] : memref<10240x128xf32, #tpu.memory_space<vmem_shared>> -> memref<128x128xf32, #tpu.memory_space<vmem_shared>>
      tpu.enqueue_dma source(%arg8 : memref<128x128xf32, #tpu.memory_space<vmem>>) target(%dma_start3A_30 : memref<128x128xf32, #tpu.memory_space<vmem_shared>>) target_semaphore(%run_scoped3A : memref<!tpu.dma_semaphore, #tpu.memory_space<semaphore_mem>>)
      %dma_wait3A = arith.constant 0 : i32
      %dma_wait3A_31 = tpu.memref_slice %arg9[%add3A_19, %dma_wait3A] : memref<10240x128xf32, #tpu.memory_space<vmem_shared>> -> memref<128x128xf32, #tpu.memory_space<vmem_shared>>
      %dma_wait3A_32 = arith.constant 0 : i32
      %dma_wait3A_33 = tpu.memref_slice %arg9[%add3A_19, %dma_wait3A_32] : memref<10240x128xf32, #tpu.memory_space<vmem_shared>> -> memref<128x128xf32, #tpu.memory_space<vmem_shared>>
      tpu.wait_dma2 semaphore(%run_scoped3A : memref<!tpu.dma_semaphore, #tpu.memory_space<semaphore_mem>>) src(%arg8 : memref<128x128xf32, #tpu.memory_space<vmem>>) dst(%dma_wait3A_33 : memref<128x128xf32, #tpu.memory_space<vmem_shared>>)
      tpu.yield
    }) : () -> ()
    %barrier3A = arith.constant 0 : index
    tpu.barrier barrier_id(%barrier3A)
    "tpu.region"() ({
      %run_scoped3A = tpu.sem_alloc : memref<!tpu.dma_semaphore, #tpu.memory_space<semaphore_mem>>
      %dma_start3A = arith.constant 0 : i32
      %dma_start3A_28 = arith.constant 0 : i32
      %dma_start3A_29 = tpu.memref_slice %arg3[%add3A, %dma_start3A, %dma_start3A_28] : memref<32x79x128xi32, #tpu.memory_space<hbm>> -> memref<1x79x128xi32, #tpu.memory_space<hbm>>
      %dma_start3A_30 = tpu.memref_squeeze %dma_start3A_29 : memref<1x79x128xi32, #tpu.memory_space<hbm>> -> memref<79x128xi32, #tpu.memory_space<hbm>>
      %dma_start3A_31 = arith.constant 0 : i32
      %dma_start3A_32 = arith.constant 0 : i32
      %dma_start3A_33 = tpu.memref_slice %arg3[%add3A, %dma_start3A_31, %dma_start3A_32] : memref<32x79x128xi32, #tpu.memory_space<hbm>> -> memref<1x79x128xi32, #tpu.memory_space<hbm>>
      %dma_start3A_34 = tpu.memref_squeeze %dma_start3A_33 : memref<1x79x128xi32, #tpu.memory_space<hbm>> -> memref<79x128xi32, #tpu.memory_space<hbm>>
      tpu.enqueue_dma source(%dma_start3A_34 : memref<79x128xi32, #tpu.memory_space<hbm>>) target(%arg6 : memref<79x128xi32, #tpu.memory_space<vmem>>) target_semaphore(%run_scoped3A : memref<!tpu.dma_semaphore, #tpu.memory_space<semaphore_mem>>)
      %dma_wait3A = arith.constant 0 : i32
      %dma_wait3A_35 = arith.constant 0 : i32
      %dma_wait3A_36 = tpu.memref_slice %arg3[%add3A, %dma_wait3A, %dma_wait3A_35] : memref<32x79x128xi32, #tpu.memory_space<hbm>> -> memref<1x79x128xi32, #tpu.memory_space<hbm>>
      %dma_wait3A_37 = tpu.memref_squeeze %dma_wait3A_36 : memref<1x79x128xi32, #tpu.memory_space<hbm>> -> memref<79x128xi32, #tpu.memory_space<hbm>>
      %dma_wait3A_38 = arith.constant 0 : i32
      %dma_wait3A_39 = arith.constant 0 : i32
      %dma_wait3A_40 = tpu.memref_slice %arg3[%add3A, %dma_wait3A_38, %dma_wait3A_39] : memref<32x79x128xi32, #tpu.memory_space<hbm>> -> memref<1x79x128xi32, #tpu.memory_space<hbm>>
      %dma_wait3A_41 = tpu.memref_squeeze %dma_wait3A_40 : memref<1x79x128xi32, #tpu.memory_space<hbm>> -> memref<79x128xi32, #tpu.memory_space<hbm>>
      tpu.wait_dma2 semaphore(%run_scoped3A : memref<!tpu.dma_semaphore, #tpu.memory_space<semaphore_mem>>) src(%dma_wait3A_41 : memref<79x128xi32, #tpu.memory_space<hbm>>) dst(%arg6 : memref<79x128xi32, #tpu.memory_space<vmem>>)
      tpu.yield
    }) : () -> ()
    "tpu.region"() ({
      %run_scoped3A = tpu.sem_alloc : memref<!tpu.dma_semaphore, #tpu.memory_space<semaphore_mem>>
      %dma_start3A = arith.constant 0 : i32
      %dma_start3A_28 = arith.constant 0 : i32
      %dma_start3A_29 = tpu.memref_slice %arg4[%add3A, %dma_start3A, %dma_start3A_28] : memref<32x79x128xi32, #tpu.memory_space<hbm>> -> memref<1x79x128xi32, #tpu.memory_space<hbm>>
      %dma_start3A_30 = tpu.memref_squeeze %dma_start3A_29 : memref<1x79x128xi32, #tpu.memory_space<hbm>> -> memref<79x128xi32, #tpu.memory_space<hbm>>
      %dma_start3A_31 = arith.constant 0 : i32
      %dma_start3A_32 = arith.constant 0 : i32
      %dma_start3A_33 = tpu.memref_slice %arg4[%add3A, %dma_start3A_31, %dma_start3A_32] : memref<32x79x128xi32, #tpu.memory_space<hbm>> -> memref<1x79x128xi32, #tpu.memory_space<hbm>>
      %dma_start3A_34 = tpu.memref_squeeze %dma_start3A_33 : memref<1x79x128xi32, #tpu.memory_space<hbm>> -> memref<79x128xi32, #tpu.memory_space<hbm>>
      tpu.enqueue_dma source(%dma_start3A_34 : memref<79x128xi32, #tpu.memory_space<hbm>>) target(%arg7 : memref<79x128xi32, #tpu.memory_space<vmem>>) target_semaphore(%run_scoped3A : memref<!tpu.dma_semaphore, #tpu.memory_space<semaphore_mem>>)
      %dma_wait3A = arith.constant 0 : i32
      %dma_wait3A_35 = arith.constant 0 : i32
      %dma_wait3A_36 = tpu.memref_slice %arg4[%add3A, %dma_wait3A, %dma_wait3A_35] : memref<32x79x128xi32, #tpu.memory_space<hbm>> -> memref<1x79x128xi32, #tpu.memory_space<hbm>>
      %dma_wait3A_37 = tpu.memref_squeeze %dma_wait3A_36 : memref<1x79x128xi32, #tpu.memory_space<hbm>> -> memref<79x128xi32, #tpu.memory_space<hbm>>
      %dma_wait3A_38 = arith.constant 0 : i32
      %dma_wait3A_39 = arith.constant 0 : i32
      %dma_wait3A_40 = tpu.memref_slice %arg4[%add3A, %dma_wait3A_38, %dma_wait3A_39] : memref<32x79x128xi32, #tpu.memory_space<hbm>> -> memref<1x79x128xi32, #tpu.memory_space<hbm>>
      %dma_wait3A_41 = tpu.memref_squeeze %dma_wait3A_40 : memref<1x79x128xi32, #tpu.memory_space<hbm>> -> memref<79x128xi32, #tpu.memory_space<hbm>>
      tpu.wait_dma2 semaphore(%run_scoped3A : memref<!tpu.dma_semaphore, #tpu.memory_space<semaphore_mem>>) src(%dma_wait3A_41 : memref<79x128xi32, #tpu.memory_space<hbm>>) dst(%arg7 : memref<79x128xi32, #tpu.memory_space<vmem>>)
      tpu.yield
    }) : () -> ()
    %scan3A_20 = arith.constant 0 : i32
    %scan3A_21 = arith.constant 0 : i32
    %scan3A_22 = arith.constant 79 : i32
    %scan3A_23 = arith.addi %scan3A_21, %scan3A_22 : i32
    %scan3A_24 = arith.constant 1 : i32
    %scan3A_25 = scf.for %scan3A_28 = %scan3A_21 to %scan3A_23 step %scan3A_24 iter_args(%scan3A_29 = %scan3A_20) -> (i32)  : i32 {
      "tpu.region"() ({
        %run_scoped3A = tpu.sem_alloc : memref<!tpu.dma_semaphore, #tpu.memory_space<semaphore_mem>>
        %dma_start3A = arith.constant 0 : i32
        %dma_start3A_31 = tpu.memref_slice %arg6[%scan3A_28, %dma_start3A] : memref<79x128xi32, #tpu.memory_space<vmem>> -> memref<1x128xi32, #tpu.memory_space<vmem>>
        %dma_start3A_32 = tpu.memref_squeeze %dma_start3A_31 : memref<1x128xi32, #tpu.memory_space<vmem>> -> memref<128xi32, #tpu.memory_space<vmem>>
        %dma_start3A_33 = arith.constant 0 : i32
        %dma_start3A_34 = arith.constant 0 : i32
        %dma_start3A_35 = tpu.memref_slice %arg2[%dma_start3A_33, %dma_start3A_34] : memref<10240x128xf32, #tpu.memory_space<hbm>> -> memref<10240x128xf32, #tpu.memory_space<hbm>>
        tpu.enqueue_indirect_dma source(%dma_start3A_35 : memref<10240x128xf32, #tpu.memory_space<hbm>>) target(%arg8 : memref<128x128xf32, #tpu.memory_space<vmem>>) offsets(%dma_start3A_32 : memref<128xi32, #tpu.memory_space<vmem>>) semaphore(%run_scoped3A : memref<!tpu.dma_semaphore, #tpu.memory_space<semaphore_mem>>)
        %dma_wait3A = arith.constant 0 : i32
        %dma_wait3A_36 = tpu.memref_slice %arg6[%scan3A_28, %dma_wait3A] : memref<79x128xi32, #tpu.memory_space<vmem>> -> memref<1x128xi32, #tpu.memory_space<vmem>>
        %dma_wait3A_37 = tpu.memref_squeeze %dma_wait3A_36 : memref<1x128xi32, #tpu.memory_space<vmem>> -> memref<128xi32, #tpu.memory_space<vmem>>
        %dma_wait3A_38 = arith.constant 0 : i32
        %dma_wait3A_39 = arith.constant 0 : i32
        %dma_wait3A_40 = tpu.memref_slice %arg2[%dma_wait3A_38, %dma_wait3A_39] : memref<10240x128xf32, #tpu.memory_space<hbm>> -> memref<10240x128xf32, #tpu.memory_space<hbm>>
        tpu.wait_indirect_dma semaphore(%run_scoped3A : memref<!tpu.dma_semaphore, #tpu.memory_space<semaphore_mem>>) src(%dma_wait3A_40 : memref<10240x128xf32, #tpu.memory_space<hbm>>) dst(%arg8 : memref<128x128xf32, #tpu.memory_space<vmem>>)
        tpu.yield
      }) : () -> ()
      "tpu.region"() ({
        %run_scoped3A = tpu.sem_alloc : memref<!tpu.dma_semaphore, #tpu.memory_space<semaphore_mem>>
        %dma_start3A = arith.constant 0 : i32
        %dma_start3A_31 = tpu.memref_slice %arg7[%scan3A_28, %dma_start3A] : memref<79x128xi32, #tpu.memory_space<vmem>> -> memref<1x128xi32, #tpu.memory_space<vmem>>
        %dma_start3A_32 = tpu.memref_squeeze %dma_start3A_31 : memref<1x128xi32, #tpu.memory_space<vmem>> -> memref<128xi32, #tpu.memory_space<vmem>>
        %dma_start3A_33 = arith.constant 0 : i32
        %dma_start3A_34 = arith.constant 0 : i32
        %dma_start3A_35 = tpu.memref_slice %arg9[%dma_start3A_33, %dma_start3A_34] : memref<10240x128xf32, #tpu.memory_space<vmem_shared>> -> memref<10240x128xf32, #tpu.memory_space<vmem_shared>>
        tpu.enqueue_indirect_dma source(%arg8 : memref<128x128xf32, #tpu.memory_space<vmem>>) target(%dma_start3A_35 : memref<10240x128xf32, #tpu.memory_space<vmem_shared>>) offsets(%dma_start3A_32 : memref<128xi32, #tpu.memory_space<vmem>>) semaphore(%run_scoped3A : memref<!tpu.dma_semaphore, #tpu.memory_space<semaphore_mem>>) {add = true}
        %dma_wait3A = arith.constant 0 : i32
        %dma_wait3A_36 = tpu.memref_slice %arg7[%scan3A_28, %dma_wait3A] : memref<79x128xi32, #tpu.memory_space<vmem>> -> memref<1x128xi32, #tpu.memory_space<vmem>>
        %dma_wait3A_37 = tpu.memref_squeeze %dma_wait3A_36 : memref<1x128xi32, #tpu.memory_space<vmem>> -> memref<128xi32, #tpu.memory_space<vmem>>
        %dma_wait3A_38 = arith.constant 0 : i32
        %dma_wait3A_39 = arith.constant 0 : i32
        %dma_wait3A_40 = tpu.memref_slice %arg9[%dma_wait3A_38, %dma_wait3A_39] : memref<10240x128xf32, #tpu.memory_space<vmem_shared>> -> memref<10240x128xf32, #tpu.memory_space<vmem_shared>>
        tpu.wait_indirect_dma semaphore(%run_scoped3A : memref<!tpu.dma_semaphore, #tpu.memory_space<semaphore_mem>>) src(%arg8 : memref<128x128xf32, #tpu.memory_space<vmem>>) dst(%dma_wait3A_40 : memref<10240x128xf32, #tpu.memory_space<vmem_shared>>)
        tpu.yield
      }) : () -> ()
      %scan3A_30 = arith.constant 0 : i32
      scf.yield %scan3A_30 : i32
    }
    %scan3A_26 = arith.constant 79 : i32
    %barrier3A_27 = arith.constant 0 : index
    tpu.barrier barrier_id(%barrier3A_27)
    "tpu.region"() ({
      %run_scoped3A = tpu.sem_alloc : memref<!tpu.dma_semaphore, #tpu.memory_space<semaphore_mem>>
      %dma_start3A = arith.constant 0 : i32
      %dma_start3A_28 = tpu.memref_slice %arg5[%arg0, %mul3A_2, %dma_start3A] : memref<2x10240x128xf32, #tpu.memory_space<hbm>> -> memref<1x640x128xf32, #tpu.memory_space<hbm>>
      %dma_start3A_29 = tpu.memref_squeeze %dma_start3A_28 : memref<1x640x128xf32, #tpu.memory_space<hbm>> -> memref<640x128xf32, #tpu.memory_space<hbm>>
      %dma_start3A_30 = arith.constant 0 : i32
      %dma_start3A_31 = tpu.memref_slice %arg9[%mul3A_2, %dma_start3A_30] : memref<10240x128xf32, #tpu.memory_space<vmem_shared>> -> memref<640x128xf32, #tpu.memory_space<vmem_shared>>
      tpu.enqueue_dma source(%dma_start3A_31 : memref<640x128xf32, #tpu.memory_space<vmem_shared>>) target(%dma_start3A_29 : memref<640x128xf32, #tpu.memory_space<hbm>>) target_semaphore(%run_scoped3A : memref<!tpu.dma_semaphore, #tpu.memory_space<semaphore_mem>>)
      %dma_wait3A = arith.constant 0 : i32
      %dma_wait3A_32 = tpu.memref_slice %arg5[%arg0, %mul3A_2, %dma_wait3A] : memref<2x10240x128xf32, #tpu.memory_space<hbm>> -> memref<1x640x128xf32, #tpu.memory_space<hbm>>
      %dma_wait3A_33 = tpu.memref_squeeze %dma_wait3A_32 : memref<1x640x128xf32, #tpu.memory_space<hbm>> -> memref<640x128xf32, #tpu.memory_space<hbm>>
      %dma_wait3A_34 = arith.constant 0 : i32
      %dma_wait3A_35 = tpu.memref_slice %arg9[%mul3A_2, %dma_wait3A_34] : memref<10240x128xf32, #tpu.memory_space<vmem_shared>> -> memref<640x128xf32, #tpu.memory_space<vmem_shared>>
      tpu.wait_dma2 semaphore(%run_scoped3A : memref<!tpu.dma_semaphore, #tpu.memory_space<semaphore_mem>>) src(%dma_wait3A_35 : memref<640x128xf32, #tpu.memory_space<vmem_shared>>) dst(%dma_wait3A_33 : memref<640x128xf32, #tpu.memory_space<hbm>>)
      tpu.yield
    }) : () -> ()
    return
  }
}

#map = affine_map<(d0, d1) -> (0, 0)>
#map1 = affine_map<(d0, d1) -> (0, 0, 0)>
module attributes {stable_mosaic.version = 14 : i64} {
  func.func @step(%arg0: i32, %arg1: i32, %arg2: memref<10240x128xf32, #tpu.memory_space<hbm>>, %arg3: memref<32x79x128xi32, #tpu.memory_space<hbm>>, %arg4: memref<32x79x128xi32, #tpu.memory_space<hbm>>, %arg5: memref<2x10240x128xf32, #tpu.memory_space<hbm>>, %arg6: memref<79x128xi32, #tpu.memory_space<vmem>>, %arg7: memref<79x128xi32, #tpu.memory_space<vmem>>, %arg8: memref<128x128xf32, #tpu.memory_space<vmem>>, %arg9: memref<10240x128xf32, #tpu.memory_space<vmem_shared>>, %arg10: memref<!tpu.dma_semaphore, #tpu.memory_space<semaphore_mem>>) attributes {dimension_semantics = [#tpu.dimension_semantics<core_parallel>, #tpu.dimension_semantics<subcore_parallel>], iteration_bounds = array<i64: 2, 16>, scalar_prefetch = 0 : i64, scratch_operands = 5 : i64, tpu.core_type = #tpu.core_type<sc_vector_subcore>, window_params = [{transform_indices = #map}, {transform_indices = #map1}, {transform_indices = #map1}, {transform_indices = #map1}]} {
    %mul3A = arith.constant 2 : i32
    %mul3A_0 = arith.muli %arg1, %mul3A : i32
    %add3A = arith.addi %mul3A_0, %arg0 : i32
    %mul3A_1 = arith.constant 640 : i32
    %mul3A_2 = arith.muli %arg1, %mul3A_1 : i32
    %broadcast_in_dim3A = arith.constant 0.000000e+00 : f32
    %broadcast_in_dim3A_3 = vector.broadcast %broadcast_in_dim3A : f32 to vector<16xf32>
    %scan3A = arith.constant 0 : i32
    %scan3A_4 = arith.constant 0 : i32
    %scan3A_5 = arith.constant 128 : i32
    %scan3A_6 = arith.addi %scan3A_4, %scan3A_5 : i32
    %scan3A_7 = arith.constant 1 : i32
    %scan3A_8 = scf.for %scan3A_28 = %scan3A_4 to %scan3A_6 step %scan3A_7 iter_args(%scan3A_29 = %scan3A) -> (i32)  : i32 {
      %swap3A = arith.index_cast %scan3A_28 : i32 to index
      %swap3A_30 = arith.constant 0 : index
      %swap3A_31 = tpu.vector_load %arg8[%swap3A, %swap3A_30] {strides = array<i32>} : memref<128x128xf32, #tpu.memory_space<vmem>>, vector<1x16xf32>,
      %swap3A_32 = vector.shape_cast %swap3A_31 : vector<1x16xf32> to vector<16xf32>
      %swap3A_33 = vector.shape_cast %broadcast_in_dim3A_3 : vector<16xf32> to vector<1x16xf32>
      tpu.vector_store %arg8[%swap3A, %swap3A_30], %swap3A_33 {strides = array<i32>} : memref<128x128xf32, #tpu.memory_space<vmem>>, vector<1x16xf32>,
      %swap3A_34 = arith.index_cast %scan3A_28 : i32 to index
      %swap3A_35 = arith.constant 16 : index
      %swap3A_36 = tpu.vector_load %arg8[%swap3A_34, %swap3A_35] {strides = array<i32>} : memref<128x128xf32, #tpu.memory_space<vmem>>, vector<1x16xf32>,
      %swap3A_37 = vector.shape_cast %swap3A_36 : vector<1x16xf32> to vector<16xf32>
      %swap3A_38 = vector.shape_cast %broadcast_in_dim3A_3 : vector<16xf32> to vector<1x16xf32>
      tpu.vector_store %arg8[%swap3A_34, %swap3A_35], %swap3A_38 {strides = array<i32>} : memref<128x128xf32, #tpu.memory_space<vmem>>, vector<1x16xf32>,
      %swap3A_39 = arith.index_cast %scan3A_28 : i32 to index
      %swap3A_40 = arith.constant 32 : index
      %swap3A_41 = tpu.vector_load %arg8[%swap3A_39, %swap3A_40] {strides = array<i32>} : memref<128x128xf32, #tpu.memory_space<vmem>>, vector<1x16xf32>,
      %swap3A_42 = vector.shape_cast %swap3A_41 : vector<1x16xf32> to vector<16xf32>
      %swap3A_43 = vector.shape_cast %broadcast_in_dim3A_3 : vector<16xf32> to vector<1x16xf32>
      tpu.vector_store %arg8[%swap3A_39, %swap3A_40], %swap3A_43 {strides = array<i32>} : memref<128x128xf32, #tpu.memory_space<vmem>>, vector<1x16xf32>,
      %swap3A_44 = arith.index_cast %scan3A_28 : i32 to index
      %swap3A_45 = arith.constant 48 : index
      %swap3A_46 = tpu.vector_load %arg8[%swap3A_44, %swap3A_45] {strides = array<i32>} : memref<128x128xf32, #tpu.memory_space<vmem>>, vector<1x16xf32>,
      %swap3A_47 = vector.shape_cast %swap3A_46 : vector<1x16xf32> to vector<16xf32>
      %swap3A_48 = vector.shape_cast %broadcast_in_dim3A_3 : vector<16xf32> to vector<1x16xf32>
      tpu.vector_store %arg8[%swap3A_44, %swap3A_45], %swap3A_48 {strides = array<i32>} : memref<128x128xf32, #tpu.memory_space<vmem>>, vector<1x16xf32>,
      %swap3A_49 = arith.index_cast %scan3A_28 : i32 to index
      %swap3A_50 = arith.constant 64 : index
      %swap3A_51 = tpu.vector_load %arg8[%swap3A_49, %swap3A_50] {strides = array<i32>} : memref<128x128xf32, #tpu.memory_space<vmem>>, vector<1x16xf32>,
      %swap3A_52 = vector.shape_cast %swap3A_51 : vector<1x16xf32> to vector<16xf32>
      %swap3A_53 = vector.shape_cast %broadcast_in_dim3A_3 : vector<16xf32> to vector<1x16xf32>
      tpu.vector_store %arg8[%swap3A_49, %swap3A_50], %swap3A_53 {strides = array<i32>} : memref<128x128xf32, #tpu.memory_space<vmem>>, vector<1x16xf32>,
      %swap3A_54 = arith.index_cast %scan3A_28 : i32 to index
      %swap3A_55 = arith.constant 80 : index
      %swap3A_56 = tpu.vector_load %arg8[%swap3A_54, %swap3A_55] {strides = array<i32>} : memref<128x128xf32, #tpu.memory_space<vmem>>, vector<1x16xf32>,
      %swap3A_57 = vector.shape_cast %swap3A_56 : vector<1x16xf32> to vector<16xf32>
      %swap3A_58 = vector.shape_cast %broadcast_in_dim3A_3 : vector<16xf32> to vector<1x16xf32>
      tpu.vector_store %arg8[%swap3A_54, %swap3A_55], %swap3A_58 {strides = array<i32>} : memref<128x128xf32, #tpu.memory_space<vmem>>, vector<1x16xf32>,
      %swap3A_59 = arith.index_cast %scan3A_28 : i32 to index
      %swap3A_60 = arith.constant 96 : index
      %swap3A_61 = tpu.vector_load %arg8[%swap3A_59, %swap3A_60] {strides = array<i32>} : memref<128x128xf32, #tpu.memory_space<vmem>>, vector<1x16xf32>,
      %swap3A_62 = vector.shape_cast %swap3A_61 : vector<1x16xf32> to vector<16xf32>
      %swap3A_63 = vector.shape_cast %broadcast_in_dim3A_3 : vector<16xf32> to vector<1x16xf32>
      tpu.vector_store %arg8[%swap3A_59, %swap3A_60], %swap3A_63 {strides = array<i32>} : memref<128x128xf32, #tpu.memory_space<vmem>>, vector<1x16xf32>,
      %swap3A_64 = arith.index_cast %scan3A_28 : i32 to index
      %swap3A_65 = arith.constant 112 : index
      %swap3A_66 = tpu.vector_load %arg8[%swap3A_64, %swap3A_65] {strides = array<i32>} : memref<128x128xf32, #tpu.memory_space<vmem>>, vector<1x16xf32>,
      %swap3A_67 = vector.shape_cast %swap3A_66 : vector<1x16xf32> to vector<16xf32>
      %swap3A_68 = vector.shape_cast %broadcast_in_dim3A_3 : vector<16xf32> to vector<1x16xf32>
      tpu.vector_store %arg8[%swap3A_64, %swap3A_65], %swap3A_68 {strides = array<i32>} : memref<128x128xf32, #tpu.memory_space<vmem>>, vector<1x16xf32>,
      %scan3A_69 = arith.constant 0 : i32
      scf.yield %scan3A_69 : i32
    }
    %scan3A_9 = arith.constant 128 : i32
    %add3A_10 = arith.constant 0 : i32
    %add3A_11 = arith.addi %mul3A_2, %add3A_10 : i32
    "tpu.region"() ({
      %run_scoped3A = tpu.sem_alloc : memref<!tpu.dma_semaphore, #tpu.memory_space<semaphore_mem>>
      %dma_start3A = arith.constant 0 : i32
      %dma_start3A_28 = tpu.memref_slice %arg9[%add3A_11, %dma_start3A] : memref<10240x128xf32, #tpu.memory_space<vmem_shared>> -> memref<128x128xf32, #tpu.memory_space<vmem_shared>>
      %dma_start3A_29 = arith.constant 0 : i32
      %dma_start3A_30 = tpu.memref_slice %arg9[%add3A_11, %dma_start3A_29] : memref<10240x128xf32, #tpu.memory_space<vmem_shared>> -> memref<128x128xf32, #tpu.memory_space<vmem_shared>>
      tpu.enqueue_dma source(%arg8 : memref<128x128xf32, #tpu.memory_space<vmem>>) target(%dma_start3A_30 : memref<128x128xf32, #tpu.memory_space<vmem_shared>>) target_semaphore(%run_scoped3A : memref<!tpu.dma_semaphore, #tpu.memory_space<semaphore_mem>>)
      %dma_wait3A = arith.constant 0 : i32
      %dma_wait3A_31 = tpu.memref_slice %arg9[%add3A_11, %dma_wait3A] : memref<10240x128xf32, #tpu.memory_space<vmem_shared>> -> memref<128x128xf32, #tpu.memory_space<vmem_shared>>
      %dma_wait3A_32 = arith.constant 0 : i32
      %dma_wait3A_33 = tpu.memref_slice %arg9[%add3A_11, %dma_wait3A_32] : memref<10240x128xf32, #tpu.memory_space<vmem_shared>> -> memref<128x128xf32, #tpu.memory_space<vmem_shared>>
      tpu.wait_dma2 semaphore(%run_scoped3A : memref<!tpu.dma_semaphore, #tpu.memory_space<semaphore_mem>>) src(%arg8 : memref<128x128xf32, #tpu.memory_space<vmem>>) dst(%dma_wait3A_33 : memref<128x128xf32, #tpu.memory_space<vmem_shared>>)
      tpu.yield
    }) : () -> ()
    %add3A_12 = arith.constant 128 : i32
    %add3A_13 = arith.addi %mul3A_2, %add3A_12 : i32
    "tpu.region"() ({
      %run_scoped3A = tpu.sem_alloc : memref<!tpu.dma_semaphore, #tpu.memory_space<semaphore_mem>>
      %dma_start3A = arith.constant 0 : i32
      %dma_start3A_28 = tpu.memref_slice %arg9[%add3A_13, %dma_start3A] : memref<10240x128xf32, #tpu.memory_space<vmem_shared>> -> memref<128x128xf32, #tpu.memory_space<vmem_shared>>
      %dma_start3A_29 = arith.constant 0 : i32
      %dma_start3A_30 = tpu.memref_slice %arg9[%add3A_13, %dma_start3A_29] : memref<10240x128xf32, #tpu.memory_space<vmem_shared>> -> memref<128x128xf32, #tpu.memory_space<vmem_shared>>
      tpu.enqueue_dma source(%arg8 : memref<128x128xf32, #tpu.memory_space<vmem>>) target(%dma_start3A_30 : memref<128x128xf32, #tpu.memory_space<vmem_shared>>) target_semaphore(%run_scoped3A : memref<!tpu.dma_semaphore, #tpu.memory_space<semaphore_mem>>)
      %dma_wait3A = arith.constant 0 : i32
      %dma_wait3A_31 = tpu.memref_slice %arg9[%add3A_13, %dma_wait3A] : memref<10240x128xf32, #tpu.memory_space<vmem_shared>> -> memref<128x128xf32, #tpu.memory_space<vmem_shared>>
      %dma_wait3A_32 = arith.constant 0 : i32
      %dma_wait3A_33 = tpu.memref_slice %arg9[%add3A_13, %dma_wait3A_32] : memref<10240x128xf32, #tpu.memory_space<vmem_shared>> -> memref<128x128xf32, #tpu.memory_space<vmem_shared>>
      tpu.wait_dma2 semaphore(%run_scoped3A : memref<!tpu.dma_semaphore, #tpu.memory_space<semaphore_mem>>) src(%arg8 : memref<128x128xf32, #tpu.memory_space<vmem>>) dst(%dma_wait3A_33 : memref<128x128xf32, #tpu.memory_space<vmem_shared>>)
      tpu.yield
    }) : () -> ()
    %add3A_14 = arith.constant 256 : i32
    %add3A_15 = arith.addi %mul3A_2, %add3A_14 : i32
    "tpu.region"() ({
      %run_scoped3A = tpu.sem_alloc : memref<!tpu.dma_semaphore, #tpu.memory_space<semaphore_mem>>
      %dma_start3A = arith.constant 0 : i32
      %dma_start3A_28 = tpu.memref_slice %arg9[%add3A_15, %dma_start3A] : memref<10240x128xf32, #tpu.memory_space<vmem_shared>> -> memref<128x128xf32, #tpu.memory_space<vmem_shared>>
      %dma_start3A_29 = arith.constant 0 : i32
      %dma_start3A_30 = tpu.memref_slice %arg9[%add3A_15, %dma_start3A_29] : memref<10240x128xf32, #tpu.memory_space<vmem_shared>> -> memref<128x128xf32, #tpu.memory_space<vmem_shared>>
      tpu.enqueue_dma source(%arg8 : memref<128x128xf32, #tpu.memory_space<vmem>>) target(%dma_start3A_30 : memref<128x128xf32, #tpu.memory_space<vmem_shared>>) target_semaphore(%run_scoped3A : memref<!tpu.dma_semaphore, #tpu.memory_space<semaphore_mem>>)
      %dma_wait3A = arith.constant 0 : i32
      %dma_wait3A_31 = tpu.memref_slice %arg9[%add3A_15, %dma_wait3A] : memref<10240x128xf32, #tpu.memory_space<vmem_shared>> -> memref<128x128xf32, #tpu.memory_space<vmem_shared>>
      %dma_wait3A_32 = arith.constant 0 : i32
      %dma_wait3A_33 = tpu.memref_slice %arg9[%add3A_15, %dma_wait3A_32] : memref<10240x128xf32, #tpu.memory_space<vmem_shared>> -> memref<128x128xf32, #tpu.memory_space<vmem_shared>>
      tpu.wait_dma2 semaphore(%run_scoped3A : memref<!tpu.dma_semaphore, #tpu.memory_space<semaphore_mem>>) src(%arg8 : memref<128x128xf32, #tpu.memory_space<vmem>>) dst(%dma_wait3A_33 : memref<128x128xf32, #tpu.memory_space<vmem_shared>>)
      tpu.yield
    }) : () -> ()
    %add3A_16 = arith.constant 384 : i32
    %add3A_17 = arith.addi %mul3A_2, %add3A_16 : i32
    "tpu.region"() ({
      %run_scoped3A = tpu.sem_alloc : memref<!tpu.dma_semaphore, #tpu.memory_space<semaphore_mem>>
      %dma_start3A = arith.constant 0 : i32
      %dma_start3A_28 = tpu.memref_slice %arg9[%add3A_17, %dma_start3A] : memref<10240x128xf32, #tpu.memory_space<vmem_shared>> -> memref<128x128xf32, #tpu.memory_space<vmem_shared>>
      %dma_start3A_29 = arith.constant 0 : i32
      %dma_start3A_30 = tpu.memref_slice %arg9[%add3A_17, %dma_start3A_29] : memref<10240x128xf32, #tpu.memory_space<vmem_shared>> -> memref<128x128xf32, #tpu.memory_space<vmem_shared>>
      tpu.enqueue_dma source(%arg8 : memref<128x128xf32, #tpu.memory_space<vmem>>) target(%dma_start3A_30 : memref<128x128xf32, #tpu.memory_space<vmem_shared>>) target_semaphore(%run_scoped3A : memref<!tpu.dma_semaphore, #tpu.memory_space<semaphore_mem>>)
      %dma_wait3A = arith.constant 0 : i32
      %dma_wait3A_31 = tpu.memref_slice %arg9[%add3A_17, %dma_wait3A] : memref<10240x128xf32, #tpu.memory_space<vmem_shared>> -> memref<128x128xf32, #tpu.memory_space<vmem_shared>>
      %dma_wait3A_32 = arith.constant 0 : i32
      %dma_wait3A_33 = tpu.memref_slice %arg9[%add3A_17, %dma_wait3A_32] : memref<10240x128xf32, #tpu.memory_space<vmem_shared>> -> memref<128x128xf32, #tpu.memory_space<vmem_shared>>
      tpu.wait_dma2 semaphore(%run_scoped3A : memref<!tpu.dma_semaphore, #tpu.memory_space<semaphore_mem>>) src(%arg8 : memref<128x128xf32, #tpu.memory_space<vmem>>) dst(%dma_wait3A_33 : memref<128x128xf32, #tpu.memory_space<vmem_shared>>)
      tpu.yield
    }) : () -> ()
    %add3A_18 = arith.constant 512 : i32
    %add3A_19 = arith.addi %mul3A_2, %add3A_18 : i32
    "tpu.region"() ({
      %run_scoped3A = tpu.sem_alloc : memref<!tpu.dma_semaphore, #tpu.memory_space<semaphore_mem>>
      %dma_start3A = arith.constant 0 : i32
      %dma_start3A_28 = tpu.memref_slice %arg9[%add3A_19, %dma_start3A] : memref<10240x128xf32, #tpu.memory_space<vmem_shared>> -> memref<128x128xf32, #tpu.memory_space<vmem_shared>>
      %dma_start3A_29 = arith.constant 0 : i32
      %dma_start3A_30 = tpu.memref_slice %arg9[%add3A_19, %dma_start3A_29] : memref<10240x128xf32, #tpu.memory_space<vmem_shared>> -> memref<128x128xf32, #tpu.memory_space<vmem_shared>>
      tpu.enqueue_dma source(%arg8 : memref<128x128xf32, #tpu.memory_space<vmem>>) target(%dma_start3A_30 : memref<128x128xf32, #tpu.memory_space<vmem_shared>>) target_semaphore(%run_scoped3A : memref<!tpu.dma_semaphore, #tpu.memory_space<semaphore_mem>>)
      %dma_wait3A = arith.constant 0 : i32
      %dma_wait3A_31 = tpu.memref_slice %arg9[%add3A_19, %dma_wait3A] : memref<10240x128xf32, #tpu.memory_space<vmem_shared>> -> memref<128x128xf32, #tpu.memory_space<vmem_shared>>
      %dma_wait3A_32 = arith.constant 0 : i32
      %dma_wait3A_33 = tpu.memref_slice %arg9[%add3A_19, %dma_wait3A_32] : memref<10240x128xf32, #tpu.memory_space<vmem_shared>> -> memref<128x128xf32, #tpu.memory_space<vmem_shared>>
      tpu.wait_dma2 semaphore(%run_scoped3A : memref<!tpu.dma_semaphore, #tpu.memory_space<semaphore_mem>>) src(%arg8 : memref<128x128xf32, #tpu.memory_space<vmem>>) dst(%dma_wait3A_33 : memref<128x128xf32, #tpu.memory_space<vmem_shared>>)
      tpu.yield
    }) : () -> ()
    %barrier3A = arith.constant 0 : index
    tpu.barrier barrier_id(%barrier3A)
    "tpu.region"() ({
      %run_scoped3A = tpu.sem_alloc : memref<!tpu.dma_semaphore, #tpu.memory_space<semaphore_mem>>
      %dma_start3A = arith.constant 0 : i32
      %dma_start3A_28 = arith.constant 0 : i32
      %dma_start3A_29 = tpu.memref_slice %arg3[%add3A, %dma_start3A, %dma_start3A_28] : memref<32x79x128xi32, #tpu.memory_space<hbm>> -> memref<1x79x128xi32, #tpu.memory_space<hbm>>
      %dma_start3A_30 = tpu.memref_squeeze %dma_start3A_29 : memref<1x79x128xi32, #tpu.memory_space<hbm>> -> memref<79x128xi32, #tpu.memory_space<hbm>>
      %dma_start3A_31 = arith.constant 0 : i32
      %dma_start3A_32 = arith.constant 0 : i32
      %dma_start3A_33 = tpu.memref_slice %arg3[%add3A, %dma_start3A_31, %dma_start3A_32] : memref<32x79x128xi32, #tpu.memory_space<hbm>> -> memref<1x79x128xi32, #tpu.memory_space<hbm>>
      %dma_start3A_34 = tpu.memref_squeeze %dma_start3A_33 : memref<1x79x128xi32, #tpu.memory_space<hbm>> -> memref<79x128xi32, #tpu.memory_space<hbm>>
      tpu.enqueue_dma source(%dma_start3A_34 : memref<79x128xi32, #tpu.memory_space<hbm>>) target(%arg6 : memref<79x128xi32, #tpu.memory_space<vmem>>) target_semaphore(%run_scoped3A : memref<!tpu.dma_semaphore, #tpu.memory_space<semaphore_mem>>)
      %dma_wait3A = arith.constant 0 : i32
      %dma_wait3A_35 = arith.constant 0 : i32
      %dma_wait3A_36 = tpu.memref_slice %arg3[%add3A, %dma_wait3A, %dma_wait3A_35] : memref<32x79x128xi32, #tpu.memory_space<hbm>> -> memref<1x79x128xi32, #tpu.memory_space<hbm>>
      %dma_wait3A_37 = tpu.memref_squeeze %dma_wait3A_36 : memref<1x79x128xi32, #tpu.memory_space<hbm>> -> memref<79x128xi32, #tpu.memory_space<hbm>>
      %dma_wait3A_38 = arith.constant 0 : i32
      %dma_wait3A_39 = arith.constant 0 : i32
      %dma_wait3A_40 = tpu.memref_slice %arg3[%add3A, %dma_wait3A_38, %dma_wait3A_39] : memref<32x79x128xi32, #tpu.memory_space<hbm>> -> memref<1x79x128xi32, #tpu.memory_space<hbm>>
      %dma_wait3A_41 = tpu.memref_squeeze %dma_wait3A_40 : memref<1x79x128xi32, #tpu.memory_space<hbm>> -> memref<79x128xi32, #tpu.memory_space<hbm>>
      tpu.wait_dma2 semaphore(%run_scoped3A : memref<!tpu.dma_semaphore, #tpu.memory_space<semaphore_mem>>) src(%dma_wait3A_41 : memref<79x128xi32, #tpu.memory_space<hbm>>) dst(%arg6 : memref<79x128xi32, #tpu.memory_space<vmem>>)
      tpu.yield
    }) : () -> ()
    "tpu.region"() ({
      %run_scoped3A = tpu.sem_alloc : memref<!tpu.dma_semaphore, #tpu.memory_space<semaphore_mem>>
      %dma_start3A = arith.constant 0 : i32
      %dma_start3A_28 = arith.constant 0 : i32
      %dma_start3A_29 = tpu.memref_slice %arg4[%add3A, %dma_start3A, %dma_start3A_28] : memref<32x79x128xi32, #tpu.memory_space<hbm>> -> memref<1x79x128xi32, #tpu.memory_space<hbm>>
      %dma_start3A_30 = tpu.memref_squeeze %dma_start3A_29 : memref<1x79x128xi32, #tpu.memory_space<hbm>> -> memref<79x128xi32, #tpu.memory_space<hbm>>
      %dma_start3A_31 = arith.constant 0 : i32
      %dma_start3A_32 = arith.constant 0 : i32
      %dma_start3A_33 = tpu.memref_slice %arg4[%add3A, %dma_start3A_31, %dma_start3A_32] : memref<32x79x128xi32, #tpu.memory_space<hbm>> -> memref<1x79x128xi32, #tpu.memory_space<hbm>>
      %dma_start3A_34 = tpu.memref_squeeze %dma_start3A_33 : memref<1x79x128xi32, #tpu.memory_space<hbm>> -> memref<79x128xi32, #tpu.memory_space<hbm>>
      tpu.enqueue_dma source(%dma_start3A_34 : memref<79x128xi32, #tpu.memory_space<hbm>>) target(%arg7 : memref<79x128xi32, #tpu.memory_space<vmem>>) target_semaphore(%run_scoped3A : memref<!tpu.dma_semaphore, #tpu.memory_space<semaphore_mem>>)
      %dma_wait3A = arith.constant 0 : i32
      %dma_wait3A_35 = arith.constant 0 : i32
      %dma_wait3A_36 = tpu.memref_slice %arg4[%add3A, %dma_wait3A, %dma_wait3A_35] : memref<32x79x128xi32, #tpu.memory_space<hbm>> -> memref<1x79x128xi32, #tpu.memory_space<hbm>>
      %dma_wait3A_37 = tpu.memref_squeeze %dma_wait3A_36 : memref<1x79x128xi32, #tpu.memory_space<hbm>> -> memref<79x128xi32, #tpu.memory_space<hbm>>
      %dma_wait3A_38 = arith.constant 0 : i32
      %dma_wait3A_39 = arith.constant 0 : i32
      %dma_wait3A_40 = tpu.memref_slice %arg4[%add3A, %dma_wait3A_38, %dma_wait3A_39] : memref<32x79x128xi32, #tpu.memory_space<hbm>> -> memref<1x79x128xi32, #tpu.memory_space<hbm>>
      %dma_wait3A_41 = tpu.memref_squeeze %dma_wait3A_40 : memref<1x79x128xi32, #tpu.memory_space<hbm>> -> memref<79x128xi32, #tpu.memory_space<hbm>>
      tpu.wait_dma2 semaphore(%run_scoped3A : memref<!tpu.dma_semaphore, #tpu.memory_space<semaphore_mem>>) src(%dma_wait3A_41 : memref<79x128xi32, #tpu.memory_space<hbm>>) dst(%arg7 : memref<79x128xi32, #tpu.memory_space<vmem>>)
      tpu.yield
    }) : () -> ()
    %scan3A_20 = arith.constant 0 : i32
    %scan3A_21 = arith.constant 0 : i32
    %scan3A_22 = arith.constant 79 : i32
    %scan3A_23 = arith.addi %scan3A_21, %scan3A_22 : i32
    %scan3A_24 = arith.constant 1 : i32
    %scan3A_25 = scf.for %scan3A_28 = %scan3A_21 to %scan3A_23 step %scan3A_24 iter_args(%scan3A_29 = %scan3A_20) -> (i32)  : i32 {
      "tpu.region"() ({
        %run_scoped3A = tpu.sem_alloc : memref<!tpu.dma_semaphore, #tpu.memory_space<semaphore_mem>>
        %dma_start3A = arith.constant 0 : i32
        %dma_start3A_31 = tpu.memref_slice %arg6[%scan3A_28, %dma_start3A] : memref<79x128xi32, #tpu.memory_space<vmem>> -> memref<1x128xi32, #tpu.memory_space<vmem>>
        %dma_start3A_32 = tpu.memref_squeeze %dma_start3A_31 : memref<1x128xi32, #tpu.memory_space<vmem>> -> memref<128xi32, #tpu.memory_space<vmem>>
        %dma_start3A_33 = arith.constant 0 : i32
        %dma_start3A_34 = arith.constant 0 : i32
        %dma_start3A_35 = tpu.memref_slice %arg2[%dma_start3A_33, %dma_start3A_34] : memref<10240x128xf32, #tpu.memory_space<hbm>> -> memref<10240x128xf32, #tpu.memory_space<hbm>>
        tpu.enqueue_indirect_dma source(%dma_start3A_35 : memref<10240x128xf32, #tpu.memory_space<hbm>>) target(%arg8 : memref<128x128xf32, #tpu.memory_space<vmem>>) offsets(%dma_start3A_32 : memref<128xi32, #tpu.memory_space<vmem>>) semaphore(%run_scoped3A : memref<!tpu.dma_semaphore, #tpu.memory_space<semaphore_mem>>)
        %dma_wait3A = arith.constant 0 : i32
        %dma_wait3A_36 = tpu.memref_slice %arg6[%scan3A_28, %dma_wait3A] : memref<79x128xi32, #tpu.memory_space<vmem>> -> memref<1x128xi32, #tpu.memory_space<vmem>>
        %dma_wait3A_37 = tpu.memref_squeeze %dma_wait3A_36 : memref<1x128xi32, #tpu.memory_space<vmem>> -> memref<128xi32, #tpu.memory_space<vmem>>
        %dma_wait3A_38 = arith.constant 0 : i32
        %dma_wait3A_39 = arith.constant 0 : i32
        %dma_wait3A_40 = tpu.memref_slice %arg2[%dma_wait3A_38, %dma_wait3A_39] : memref<10240x128xf32, #tpu.memory_space<hbm>> -> memref<10240x128xf32, #tpu.memory_space<hbm>>
        tpu.wait_indirect_dma semaphore(%run_scoped3A : memref<!tpu.dma_semaphore, #tpu.memory_space<semaphore_mem>>) src(%dma_wait3A_40 : memref<10240x128xf32, #tpu.memory_space<hbm>>) dst(%arg8 : memref<128x128xf32, #tpu.memory_space<vmem>>)
        tpu.yield
      }) : () -> ()
      "tpu.region"() ({
        %run_scoped3A = tpu.sem_alloc : memref<!tpu.dma_semaphore, #tpu.memory_space<semaphore_mem>>
        %dma_start3A = arith.constant 0 : i32
        %dma_start3A_31 = tpu.memref_slice %arg7[%scan3A_28, %dma_start3A] : memref<79x128xi32, #tpu.memory_space<vmem>> -> memref<1x128xi32, #tpu.memory_space<vmem>>
        %dma_start3A_32 = tpu.memref_squeeze %dma_start3A_31 : memref<1x128xi32, #tpu.memory_space<vmem>> -> memref<128xi32, #tpu.memory_space<vmem>>
        %dma_start3A_33 = arith.constant 0 : i32
        %dma_start3A_34 = arith.constant 0 : i32
        %dma_start3A_35 = tpu.memref_slice %arg9[%dma_start3A_33, %dma_start3A_34] : memref<10240x128xf32, #tpu.memory_space<vmem_shared>> -> memref<10240x128xf32, #tpu.memory_space<vmem_shared>>
        tpu.enqueue_indirect_dma source(%arg8 : memref<128x128xf32, #tpu.memory_space<vmem>>) target(%dma_start3A_35 : memref<10240x128xf32, #tpu.memory_space<vmem_shared>>) offsets(%dma_start3A_32 : memref<128xi32, #tpu.memory_space<vmem>>) semaphore(%run_scoped3A : memref<!tpu.dma_semaphore, #tpu.memory_space<semaphore_mem>>) {add = true}
        %dma_wait3A = arith.constant 0 : i32
        %dma_wait3A_36 = tpu.memref_slice %arg7[%scan3A_28, %dma_wait3A] : memref<79x128xi32, #tpu.memory_space<vmem>> -> memref<1x128xi32, #tpu.memory_space<vmem>>
        %dma_wait3A_37 = tpu.memref_squeeze %dma_wait3A_36 : memref<1x128xi32, #tpu.memory_space<vmem>> -> memref<128xi32, #tpu.memory_space<vmem>>
        %dma_wait3A_38 = arith.constant 0 : i32
        %dma_wait3A_39 = arith.constant 0 : i32
        %dma_wait3A_40 = tpu.memref_slice %arg9[%dma_wait3A_38, %dma_wait3A_39] : memref<10240x128xf32, #tpu.memory_space<vmem_shared>> -> memref<10240x128xf32, #tpu.memory_space<vmem_shared>>
        tpu.wait_indirect_dma semaphore(%run_scoped3A : memref<!tpu.dma_semaphore, #tpu.memory_space<semaphore_mem>>) src(%arg8 : memref<128x128xf32, #tpu.memory_space<vmem>>) dst(%dma_wait3A_40 : memref<10240x128xf32, #tpu.memory_space<vmem_shared>>)
        tpu.yield
      }) : () -> ()
      %scan3A_30 = arith.constant 0 : i32
      scf.yield %scan3A_30 : i32
    }
    %scan3A_26 = arith.constant 79 : i32
    %barrier3A_27 = arith.constant 0 : index
    tpu.barrier barrier_id(%barrier3A_27)
    "tpu.region"() ({
      %run_scoped3A = tpu.sem_alloc : memref<!tpu.dma_semaphore, #tpu.memory_space<semaphore_mem>>
      %dma_start3A = arith.constant 0 : i32
      %dma_start3A_28 = tpu.memref_slice %arg5[%arg0, %mul3A_2, %dma_start3A] : memref<2x10240x128xf32, #tpu.memory_space<hbm>> -> memref<1x640x128xf32, #tpu.memory_space<hbm>>
      %dma_start3A_29 = tpu.memref_squeeze %dma_start3A_28 : memref<1x640x128xf32, #tpu.memory_space<hbm>> -> memref<640x128xf32, #tpu.memory_space<hbm>>
      %dma_start3A_30 = arith.constant 0 : i32
      %dma_start3A_31 = tpu.memref_slice %arg9[%mul3A_2, %dma_start3A_30] : memref<10240x128xf32, #tpu.memory_space<vmem_shared>> -> memref<640x128xf32, #tpu.memory_space<vmem_shared>>
      tpu.enqueue_dma source(%dma_start3A_31 : memref<640x128xf32, #tpu.memory_space<vmem_shared>>) target(%dma_start3A_29 : memref<640x128xf32, #tpu.memory_space<hbm>>) target_semaphore(%run_scoped3A : memref<!tpu.dma_semaphore, #tpu.memory_space<semaphore_mem>>)
      %dma_wait3A = arith.constant 0 : i32
      %dma_wait3A_32 = tpu.memref_slice %arg5[%arg0, %mul3A_2, %dma_wait3A] : memref<2x10240x128xf32, #tpu.memory_space<hbm>> -> memref<1x640x128xf32, #tpu.memory_space<hbm>>
      %dma_wait3A_33 = tpu.memref_squeeze %dma_wait3A_32 : memref<1x640x128xf32, #tpu.memory_space<hbm>> -> memref<640x128xf32, #tpu.memory_space<hbm>>
      %dma_wait3A_34 = arith.constant 0 : i32
      %dma_wait3A_35 = tpu.memref_slice %arg9[%mul3A_2, %dma_wait3A_34] : memref<10240x128xf32, #tpu.memory_space<vmem_shared>> -> memref<640x128xf32, #tpu.memory_space<vmem_shared>>
      tpu.wait_dma2 semaphore(%run_scoped3A : memref<!tpu.dma_semaphore, #tpu.memory_space<semaphore_mem>>) src(%dma_wait3A_35 : memref<640x128xf32, #tpu.memory_space<vmem_shared>>) dst(%dma_wait3A_33 : memref<640x128xf32, #tpu.memory_space<hbm>>)
      tpu.yield
    }) : () -> ()
    return
  }
}

module attributes {stable_mosaic.version = 14 : i64} {
  func.func @body(%arg0: i32, %arg1: memref<2x1280x128xf32, #tpu.memory_space<vmem>>, %arg2: memref<1280x128xf32, #tpu.memory_space<vmem>>, %arg3: memref<1280x128xf32, #tpu.memory_space<vmem>>, %arg4: memref<1280x128xf32, #tpu.memory_space<vmem>>, %arg5: memref<1280x128xf32, #tpu.memory_space<vmem>>, %arg6: memref<1280x128xf32, #tpu.memory_space<vmem>>, %arg7: memref<1280x128xf32, #tpu.memory_space<vmem>>) attributes {dimension_semantics = [#tpu.dimension_semantics<arbitrary>], iteration_bounds = array<i64: 8>, scalar_prefetch = 0 : i64, scratch_operands = 0 : i64, tpu.core_type = #tpu.core_type<tc>, window_params = [{transform_indices = @transform_0, window_bounds = array<i64: 2, 1280, 128>}, {transform_indices = @transform_1, window_bounds = array<i64: 1280, 128>}, {transform_indices = @transform_2, window_bounds = array<i64: 1280, 128>}, {transform_indices = @transform_3, window_bounds = array<i64: 1280, 128>}, {transform_indices = @transform_4, window_bounds = array<i64: 1280, 128>}, {transform_indices = @transform_5, window_bounds = array<i64: 1280, 128>}, {transform_indices = @transform_6, window_bounds = array<i64: 1280, 128>}]} {
    %get3A = arith.constant 0 : index
    %get3A_0 = arith.constant 0 : index
    %get3A_1 = arith.constant 0 : index
    %get3A_2 = vector.load %arg1[%get3A, %get3A_0, %get3A_1] : memref<2x1280x128xf32, #tpu.memory_space<vmem>>, vector<1x1280x128xf32>
    %get3A_3 = vector.shape_cast %get3A_2 : vector<1x1280x128xf32> to vector<1280x128xf32>
    %get3A_4 = arith.constant 1 : index
    %get3A_5 = arith.constant 0 : index
    %get3A_6 = arith.constant 0 : index
    %get3A_7 = vector.load %arg1[%get3A_4, %get3A_5, %get3A_6] : memref<2x1280x128xf32, #tpu.memory_space<vmem>>, vector<1x1280x128xf32>
    %get3A_8 = vector.shape_cast %get3A_7 : vector<1x1280x128xf32> to vector<1280x128xf32>
    %add3A = arith.addf %get3A_3, %get3A_8 : vector<1280x128xf32>
    %gt3A = arith.constant 0.000000e+00 : f32
    %gt3A_9 = vector.broadcast %gt3A : f32 to vector<1280x128xf32>
    %gt3A_10 = arith.cmpf ogt, %add3A, %gt3A_9 : vector<1280x128xf32>
    %rsqrt3A = math.rsqrt %add3A : vector<1280x128xf32>
    %jit3A = arith.constant 0.000000e+00 : f32
    %broadcast_in_dim3A = vector.broadcast %jit3A : f32 to vector<1280x128xf32>
    %select_n3A = arith.select %gt3A_10, %rsqrt3A, %broadcast_in_dim3A : vector<1280x128xi1>, vector<1280x128xf32>
    %get3A_11 = arith.constant 0 : index
    %get3A_12 = arith.constant 0 : index
    %get3A_13 = vector.load %arg3[%get3A_11, %get3A_12] : memref<1280x128xf32, #tpu.memory_space<vmem>>, vector<1280x128xf32>
    %get3A_14 = arith.constant 0 : index
    %get3A_15 = arith.constant 0 : index
    %get3A_16 = vector.load %arg2[%get3A_14, %get3A_15] : memref<1280x128xf32, #tpu.memory_space<vmem>>, vector<1280x128xf32>
    %mul3A = arith.mulf %get3A_13, %select_n3A : vector<1280x128xf32>
    %mul3A_17 = arith.mulf %mul3A, %get3A_16 : vector<1280x128xf32>
    %swap3A = arith.constant 0 : index
    %swap3A_18 = arith.constant 0 : index
    %swap3A_19 = vector.load %arg4[%swap3A, %swap3A_18] : memref<1280x128xf32, #tpu.memory_space<vmem>>, vector<1280x128xf32>
    tpu.vector_store %arg4[%swap3A, %swap3A_18], %mul3A_17 {strides = array<i32>} : memref<1280x128xf32, #tpu.memory_space<vmem>>, vector<1280x128xf32>,
    %sub3A = arith.constant 1.000000e+00 : f32
    %sub3A_20 = vector.broadcast %sub3A : f32 to vector<1280x128xf32>
    %sub3A_21 = arith.subf %sub3A_20, %get3A_13 : vector<1280x128xf32>
    %mul3A_22 = arith.mulf %sub3A_21, %select_n3A : vector<1280x128xf32>
    %mul3A_23 = arith.mulf %mul3A_22, %select_n3A : vector<1280x128xf32>
    %swap3A_24 = arith.constant 0 : index
    %swap3A_25 = arith.constant 0 : index
    %swap3A_26 = vector.load %arg5[%swap3A_24, %swap3A_25] : memref<1280x128xf32, #tpu.memory_space<vmem>>, vector<1280x128xf32>
    tpu.vector_store %arg5[%swap3A_24, %swap3A_25], %mul3A_23 {strides = array<i32>} : memref<1280x128xf32, #tpu.memory_space<vmem>>, vector<1280x128xf32>,
    %mul3A_27 = arith.mulf %get3A_13, %get3A_16 : vector<1280x128xf32>
    %swap3A_28 = arith.constant 0 : index
    %swap3A_29 = arith.constant 0 : index
    %swap3A_30 = vector.load %arg6[%swap3A_28, %swap3A_29] : memref<1280x128xf32, #tpu.memory_space<vmem>>, vector<1280x128xf32>
    tpu.vector_store %arg6[%swap3A_28, %swap3A_29], %mul3A_27 {strides = array<i32>} : memref<1280x128xf32, #tpu.memory_space<vmem>>, vector<1280x128xf32>,
    %sub3A_31 = arith.constant 1.000000e+00 : f32
    %sub3A_32 = vector.broadcast %sub3A_31 : f32 to vector<1280x128xf32>
    %sub3A_33 = arith.subf %sub3A_32, %get3A_13 : vector<1280x128xf32>
    %mul3A_34 = arith.mulf %sub3A_33, %select_n3A : vector<1280x128xf32>
    %swap3A_35 = arith.constant 0 : index
    %swap3A_36 = arith.constant 0 : index
    %swap3A_37 = vector.load %arg7[%swap3A_35, %swap3A_36] : memref<1280x128xf32, #tpu.memory_space<vmem>>, vector<1280x128xf32>
    tpu.vector_store %arg7[%swap3A_35, %swap3A_36], %mul3A_34 {strides = array<i32>} : memref<1280x128xf32, #tpu.memory_space<vmem>>, vector<1280x128xf32>,
    return
  }
  func.func @transform_0(%arg0: i32) -> (i32, i32, i32) {
    %c0_i32 = arith.constant 0 : i32
    %c0_i32_0 = arith.constant 0 : i32
    %c0_i32_1 = arith.constant 0 : i32
    return %c0_i32, %arg0, %c0_i32_0 : i32, i32, i32
  }
  func.func @transform_1(%arg0: i32) -> (i32, i32) {
    %c0_i32 = arith.constant 0 : i32
    %c0_i32_0 = arith.constant 0 : i32
    return %arg0, %c0_i32 : i32, i32
  }
  func.func @transform_2(%arg0: i32) -> (i32, i32) {
    %c0_i32 = arith.constant 0 : i32
    %c0_i32_0 = arith.constant 0 : i32
    return %arg0, %c0_i32 : i32, i32
  }
  func.func @transform_3(%arg0: i32) -> (i32, i32) {
    %c0_i32 = arith.constant 0 : i32
    %c0_i32_0 = arith.constant 0 : i32
    return %arg0, %c0_i32 : i32, i32
  }
  func.func @transform_4(%arg0: i32) -> (i32, i32) {
    %c0_i32 = arith.constant 0 : i32
    %c0_i32_0 = arith.constant 0 : i32
    return %arg0, %c0_i32 : i32, i32
  }
  func.func @transform_5(%arg0: i32) -> (i32, i32) {
    %c0_i32 = arith.constant 0 : i32
    %c0_i32_0 = arith.constant 0 : i32
    return %arg0, %c0_i32 : i32, i32
  }
  func.func @transform_6(%arg0: i32) -> (i32, i32) {
    %c0_i32 = arith.constant 0 : i32
    %c0_i32_0 = arith.constant 0 : i32
    return %arg0, %c0_i32 : i32, i32
  }
}

module attributes {stable_mosaic.version = 14 : i64} {
  func.func @body(%arg0: i32, %arg1: memref<2x1280x128xf32, #tpu.memory_space<vmem>>, %arg2: memref<1280x128xf32, #tpu.memory_space<vmem>>, %arg3: memref<1280x128xf32, #tpu.memory_space<vmem>>, %arg4: memref<1280x128xf32, #tpu.memory_space<vmem>>) attributes {dimension_semantics = [#tpu.dimension_semantics<arbitrary>], iteration_bounds = array<i64: 8>, scalar_prefetch = 0 : i64, scratch_operands = 0 : i64, tpu.core_type = #tpu.core_type<tc>, window_params = [{transform_indices = @transform_0, window_bounds = array<i64: 2, 1280, 128>}, {transform_indices = @transform_1, window_bounds = array<i64: 1280, 128>}, {transform_indices = @transform_2, window_bounds = array<i64: 1280, 128>}, {transform_indices = @transform_3, window_bounds = array<i64: 1280, 128>}]} {
    %get3A = arith.constant 0 : index
    %get3A_0 = arith.constant 0 : index
    %get3A_1 = vector.load %arg2[%get3A, %get3A_0] : memref<1280x128xf32, #tpu.memory_space<vmem>>, vector<1280x128xf32>
    %get3A_2 = arith.constant 0 : index
    %get3A_3 = arith.constant 0 : index
    %get3A_4 = vector.load %arg3[%get3A_2, %get3A_3] : memref<1280x128xf32, #tpu.memory_space<vmem>>, vector<1280x128xf32>
    %get3A_5 = arith.constant 0 : index
    %get3A_6 = arith.constant 0 : index
    %get3A_7 = arith.constant 0 : index
    %get3A_8 = vector.load %arg1[%get3A_5, %get3A_6, %get3A_7] : memref<2x1280x128xf32, #tpu.memory_space<vmem>>, vector<1x1280x128xf32>
    %get3A_9 = vector.shape_cast %get3A_8 : vector<1x1280x128xf32> to vector<1280x128xf32>
    %get3A_10 = arith.constant 1 : index
    %get3A_11 = arith.constant 0 : index
    %get3A_12 = arith.constant 0 : index
    %get3A_13 = vector.load %arg1[%get3A_10, %get3A_11, %get3A_12] : memref<2x1280x128xf32, #tpu.memory_space<vmem>>, vector<1x1280x128xf32>
    %get3A_14 = vector.shape_cast %get3A_13 : vector<1x1280x128xf32> to vector<1280x128xf32>
    %add3A = arith.addf %get3A_9, %get3A_14 : vector<1280x128xf32>
    %mul3A = arith.mulf %get3A_4, %add3A : vector<1280x128xf32>
    %add3A_15 = arith.addf %get3A_1, %mul3A : vector<1280x128xf32>
    %swap3A = arith.constant 0 : index
    %swap3A_16 = arith.constant 0 : index
    %swap3A_17 = vector.load %arg4[%swap3A, %swap3A_16] : memref<1280x128xf32, #tpu.memory_space<vmem>>, vector<1280x128xf32>
    tpu.vector_store %arg4[%swap3A, %swap3A_16], %add3A_15 {strides = array<i32>} : memref<1280x128xf32, #tpu.memory_space<vmem>>, vector<1280x128xf32>,
    return
  }
  func.func @transform_0(%arg0: i32) -> (i32, i32, i32) {
    %c0_i32 = arith.constant 0 : i32
    %c0_i32_0 = arith.constant 0 : i32
    %c0_i32_1 = arith.constant 0 : i32
    return %c0_i32, %arg0, %c0_i32_0 : i32, i32, i32
  }
  func.func @transform_1(%arg0: i32) -> (i32, i32) {
    %c0_i32 = arith.constant 0 : i32
    %c0_i32_0 = arith.constant 0 : i32
    return %arg0, %c0_i32 : i32, i32
  }
  func.func @transform_2(%arg0: i32) -> (i32, i32) {
    %c0_i32 = arith.constant 0 : i32
    %c0_i32_0 = arith.constant 0 : i32
    return %arg0, %c0_i32 : i32, i32
  }
  func.func @transform_3(%arg0: i32) -> (i32, i32) {
    %c0_i32 = arith.constant 0 : i32
    %c0_i32_0 = arith.constant 0 : i32
    return %arg0, %c0_i32 : i32, i32
  }
}

module attributes {stable_mosaic.version = 14 : i64} {
  func.func @body(%arg0: i32, %arg1: memref<2x1280x128xf32, #tpu.memory_space<vmem>>, %arg2: memref<1280x128xf32, #tpu.memory_space<vmem>>, %arg3: memref<1280x128xf32, #tpu.memory_space<vmem>>, %arg4: memref<1280x128xf32, #tpu.memory_space<vmem>>) attributes {dimension_semantics = [#tpu.dimension_semantics<arbitrary>], iteration_bounds = array<i64: 8>, scalar_prefetch = 0 : i64, scratch_operands = 0 : i64, tpu.core_type = #tpu.core_type<tc>, window_params = [{transform_indices = @transform_0, window_bounds = array<i64: 2, 1280, 128>}, {transform_indices = @transform_1, window_bounds = array<i64: 1280, 128>}, {transform_indices = @transform_2, window_bounds = array<i64: 1280, 128>}, {transform_indices = @transform_3, window_bounds = array<i64: 1280, 128>}]} {
    %get3A = arith.constant 0 : index
    %get3A_0 = arith.constant 0 : index
    %get3A_1 = vector.load %arg2[%get3A, %get3A_0] : memref<1280x128xf32, #tpu.memory_space<vmem>>, vector<1280x128xf32>
    %get3A_2 = arith.constant 0 : index
    %get3A_3 = arith.constant 0 : index
    %get3A_4 = vector.load %arg3[%get3A_2, %get3A_3] : memref<1280x128xf32, #tpu.memory_space<vmem>>, vector<1280x128xf32>
    %get3A_5 = arith.constant 0 : index
    %get3A_6 = arith.constant 0 : index
    %get3A_7 = arith.constant 0 : index
    %get3A_8 = vector.load %arg1[%get3A_5, %get3A_6, %get3A_7] : memref<2x1280x128xf32, #tpu.memory_space<vmem>>, vector<1x1280x128xf32>
    %get3A_9 = vector.shape_cast %get3A_8 : vector<1x1280x128xf32> to vector<1280x128xf32>
    %get3A_10 = arith.constant 1 : index
    %get3A_11 = arith.constant 0 : index
    %get3A_12 = arith.constant 0 : index
    %get3A_13 = vector.load %arg1[%get3A_10, %get3A_11, %get3A_12] : memref<2x1280x128xf32, #tpu.memory_space<vmem>>, vector<1x1280x128xf32>
    %get3A_14 = vector.shape_cast %get3A_13 : vector<1x1280x128xf32> to vector<1280x128xf32>
    %add3A = arith.addf %get3A_9, %get3A_14 : vector<1280x128xf32>
    %mul3A = arith.mulf %get3A_4, %add3A : vector<1280x128xf32>
    %add3A_15 = arith.addf %get3A_1, %mul3A : vector<1280x128xf32>
    %swap3A = arith.constant 0 : index
    %swap3A_16 = arith.constant 0 : index
    %swap3A_17 = vector.load %arg4[%swap3A, %swap3A_16] : memref<1280x128xf32, #tpu.memory_space<vmem>>, vector<1280x128xf32>
    tpu.vector_store %arg4[%swap3A, %swap3A_16], %add3A_15 {strides = array<i32>} : memref<1280x128xf32, #tpu.memory_space<vmem>>, vector<1280x128xf32>,
    return
  }
  func.func @transform_0(%arg0: i32) -> (i32, i32, i32) {
    %c0_i32 = arith.constant 0 : i32
    %c0_i32_0 = arith.constant 0 : i32
    %c0_i32_1 = arith.constant 0 : i32
    return %c0_i32, %arg0, %c0_i32_0 : i32, i32, i32
  }
  func.func @transform_1(%arg0: i32) -> (i32, i32) {
    %c0_i32 = arith.constant 0 : i32
    %c0_i32_0 = arith.constant 0 : i32
    return %arg0, %c0_i32 : i32, i32
  }
  func.func @transform_2(%arg0: i32) -> (i32, i32) {
    %c0_i32 = arith.constant 0 : i32
    %c0_i32_0 = arith.constant 0 : i32
    return %arg0, %c0_i32 : i32, i32
  }
  func.func @transform_3(%arg0: i32) -> (i32, i32) {
    %c0_i32 = arith.constant 0 : i32
    %c0_i32_0 = arith.constant 0 : i32
    return %arg0, %c0_i32 : i32, i32
  }
}

</mosaic_0001>

<sc_bundles>
// kernel: closed_call.9.cloned.1.call-start
scs
__scs_entry_jumppad:
0x0: {  	(pc) =	sbr.rel $0x88, $3  }
0x1: {  	(tag) =	ssettag $0x0;
	lr =	simm.s32 $0x1  }
0x2: {  	[smem:$0x3F9E] =	sst lr;
	_ =	strace $0xD0000000  }
0x3: {  	_ = 	snop  }
0x4: {  	_ = 	snop  }
0x5: {  	_ = 	snop  }
0x6: {  	_ = 	snop  }
0x7: {  	_ = 	snop  }
__scs_overlays_trampoline_lowered:
0x8: {  	[smem:$0x3FAD] =	sst s0  }
0x9: {  	[smem:$0x3FAE] =	sst s1  }
0xa: {  	[smem:$0x3FAF] =	sst s2  }
0xb: {  	[smem:$0x3FB0] =	sst s3  }
0xc: {  	[smem:$0x3FB1] =	sst s4  }
0xd: {  	[smem:$0x3FB2] =	sst s5  }
0xe: {  	[smem:$0x3FB3] =	sst s6  }
0xf: {  	[smem:$0x3FB4] =	sst s7  }
0x10: {  	[smem:$0x3FB5] =	sst s8  }
0x11: {  	[smem:$0x3FB6] =	sst s9;
	s0 =	simm.s32 @!p0 $0x0  }
0x12: {  	s1 =	sld [smem:$0x3F9C];
	s0 =	simm.s32 @p0 $0x1  }
0x13: {  	[smem:$0x3FB7] =	sst s0;
	s0 =	simm.s32 @!p1 $0x0  }
0x14: {  	s2 =	sld [smem:$0x3F9B];
	s0 =	simm.s32 @p1 $0x1  }
0x15: {  	[smem:$0x3FB8] =	sst s0;
	s0 =	simm.s32 @!p2 $0x0  }
0x16: {  	s3 =	sld [smem:$0x3FDB];
	s0 =	simm.s32 @p2 $0x1  }
0x17: {  	s4 =	simm.s32 $0x1BF5;
	[smem:$0x3FBA] =	sst s0  }
0x18: {  	s0 =	sld [smem:$0x3F9D];
	_ =	swait.ge [sflag:s4], $0x0  }
0x19: {  	s7 =	sld [smem:$0x3F9E]  }
0x1a: {  	s8 =	sadd.s32 $0xFFFFE003, lr  }
0x1b: {  	s9 =	sadd.s32 $0xFFFFFEF7, lr;
	s5 =	simm.s32 $0xFFFFFFFF;
	p2 =	slt.u32 s8, $0xFFFFF086  }
0x1c: {  	p1 =	slt.u32 s9, $0xF7A;
	s5 =	simm.s32 @!p2 $0x0  }
0x1d: {  	s5 =	simm.s32 @p1 $0x1;
	p0 =	seq.s32 s7, s2  }
0x1e: {  	s7 =	smul.u32 @!p0 $0xF7A, s2;
	p2 =	seq.s32 @!p0 s5, $0x0  }
0x1f: {  	s9 =	smul.u32 $0xF7A, s1;
	s8 =	simm.s32 @!p0 $0x1BF5;
	p2 =	por !p2, p0  }
0x20: {  	[sflag:s8] =	ssyncset.s32 @!p0 $0xFFFFF086;
	s6 =	sadd.s32 @!p0 s3, s7;
	s7 =	simm.s32 @!p0 $0x108  }
0x21: {  	s3 =	sadd.s32 s3, s9;
	s6 =	sadd.s32 @!p0 $0x88, s6;
	s7 =	simm.s32 @p2 $0x1082  }
0x22: {  	[simem:s7], [sflag:s8] =	dma.local @!p0 [hbm:s6], $0xF7A  }
0x23: {  	s9 =	sor.u32 $0xD0000000, s2;
	s6 =	simm.s32 $0x108;
	_ =	swait.ge @!p0 [sflag:s8], $0x0  }
0x24: {  	s3 =	sadd.s32 $0x88, s3;
	s6 =	simm.s32 @!p1 $0x1082;
	[sflag:s4] =	ssyncset.s32 $0xFFFFF086  }
0x25: {  	[simem:s6], [sflag:s4] =	dma.local [hbm:s3], $0xF7A  }
0x26: {  	[smem:$0x3F9E] =	sst s1;
	(tag) =	ssettag s2;
	_ =	strace s9  }
0x27: {  	s1 =	sld [smem:$0x3FAE]  }
0x28: {  	s2 =	sld [smem:$0x3FAF]  }
0x29: {  	s4 =	sld [smem:$0x3FB1]  }
0x2a: {  	p0 =	seq.s32 s5, $0x0;
	s5 =	sld [smem:$0x3FB2]  }
0x2b: {  	s6 =	sld [smem:$0x3FB3]  }
0x2c: {  	s7 =	sld [smem:$0x3FB4]  }
0x2d: {  	s3 =	simm.s32 $0x108;
	s8 =	sld [smem:$0x3FB5]  }
0x2e: {  	s3 =	simm.s32 @!p0 $0x1082;
	s9 =	sld [smem:$0x3FB6]  }
0x2f: {  	lr =	sadd.s32 s0, s3;
	s0 =	sld [smem:$0x3FAD]  }
0x30: {  	s3 =	sld [smem:$0x3FB0]  }
0x31: {  	[smem:$0x3FB9] =	sst s10  }
0x32: {  	s10 =	sld [smem:$0x3FB7];
	_ =	sdelay $0x3  }
0x33: {  	p0 =	seq.s32 s10, $0x1;
	s10 =	sld [smem:$0x3FB9];
	_ =	sdelay $0x3  }
0x34: {  	[smem:$0x3FB9] =	sst s10  }
0x35: {  	s10 =	sld [smem:$0x3FB8];
	_ =	sdelay $0x3  }
0x36: {  	p1 =	seq.s32 s10, $0x1;
	s10 =	sld [smem:$0x3FB9];
	_ =	sdelay $0x3  }
0x37: {  	[smem:$0x3FB9] =	sst s10  }
0x38: {  	s10 =	sld [smem:$0x3FBA]  }
0x39: {  	_ = 	snop;
	(pc) =	sbr.ind lr, $3  }
0x3a: {  	_ = 	snop  }
0x3b: {  	_ = 	snop  }
0x3c: {  	p2 =	seq.s32 s10, $0x1;
	s10 =	sld [smem:$0x3FB9]  }
0x3d: {  	_ =	shalt  }
0x3e: {  	_ =	shalt  }
0x3f: {  	_ =	shalt  }
0x40: {  	_ =	shalt  }
0x41: {  	_ =	shalt  }
0x42: {  	_ =	shalt  }
0x43: {  	_ =	shalt  }
0x44: {  	_ =	shalt  }
0x45: {  	_ =	shalt  }
0x46: {  	_ =	shalt  }
0x47: {  	_ =	shalt  }
0x48: {  	_ =	shalt  }
0x49: {  	_ =	shalt  }
0x4a: {  	_ =	shalt  }
0x4b: {  	_ =	shalt  }
0x4c: {  	_ =	shalt  }
0x4d: {  	_ =	shalt  }
0x4e: {  	_ =	shalt  }
0x4f: {  	_ =	shalt  }
0x50: {  	_ =	shalt  }
0x51: {  	_ =	shalt  }
0x52: {  	_ =	shalt  }
0x53: {  	_ =	shalt  }
0x54: {  	_ =	shalt  }
0x55: {  	_ =	shalt  }
0x56: {  	_ =	shalt  }
0x57: {  	_ =	shalt  }
0x58: {  	_ =	shalt  }
0x59: {  	_ =	shalt  }
0x5a: {  	_ =	shalt  }
0x5b: {  	_ =	shalt  }
0x5c: {  	_ =	shalt  }
0x5d: {  	_ =	shalt  }
0x5e: {  	_ =	shalt  }
0x5f: {  	_ =	shalt  }
0x60: {  	_ =	shalt  }
0x61: {  	_ =	shalt  }
0x62: {  	_ =	shalt  }
0x63: {  	_ =	shalt  }
0x64: {  	_ =	shalt  }
0x65: {  	_ =	shalt  }
0x66: {  	_ =	shalt  }
0x67: {  	_ =	shalt  }
0x68: {  	_ =	shalt  }
0x69: {  	_ =	shalt  }
0x6a: {  	_ =	shalt  }
0x6b: {  	_ =	shalt  }
0x6c: {  	_ =	shalt  }
0x6d: {  	_ =	shalt  }
0x6e: {  	_ =	shalt  }
0x6f: {  	_ =	shalt  }
0x70: {  	_ =	shalt  }
0x71: {  	_ =	shalt  }
0x72: {  	_ =	shalt  }
0x73: {  	_ =	shalt  }
0x74: {  	_ =	shalt  }
0x75: {  	_ =	shalt  }
0x76: {  	_ =	shalt  }
0x77: {  	_ =	shalt  }
0x78: {  	_ =	shalt  }
0x79: {  	_ =	shalt  }
0x7a: {  	_ =	shalt  }
0x7b: {  	_ =	shalt  }
0x7c: {  	_ =	shalt  }
0x7d: {  	_ =	shalt  }
0x7e: {  	_ =	shalt  }
0x7f: {  	_ =	shalt  }
0x80: {  	_ =	shalt  }
0x81: {  	_ =	shalt  }
0x82: {  	_ =	shalt  }
0x83: {  	_ =	shalt  }
0x84: {  	_ =	shalt  }
0x85: {  	_ =	shalt  }
0x86: {  	_ =	shalt  }
0x87: {  	_ =	shalt  }
.Lfunc_end0:
.L_simem_size_0:
called_computation_lowered:
.L_overlay_start_0:
0x88: {  	s2 =	sld [smem:$0x3FD9]  }
0x89: {  	s3 =	sld [smem:$0x3FFE];
	_ =	sdelay $0x1  }
0x8a: {  	s1 =	srdreg.scid  }
0x8b: {  	s0 =	sand.u32 $0x1, s1  }
0x8c: {  	s17 =	sshll.u32 s0, $0xA;
	s2 =	sadd.s32 s3, s2  }
0x8d: {  	s2 =	sadd.s32 s2, s17  }
0x8e: {  	[smem:$0x3FC5] =	sst s2  }
0x8f: {  	_ = 	snop  }
0x90: {  	s2 =	sld [smem:$0x3FD0];
	(tm) =	ssettm $0x1  }
0x91: {  	s18 =	sld [smem:$0x3FFB];
	_ =	sdelay $0x3  }
0x92: {  	_ =	strace s18  }
0x93: {  	s3 =	sld [smem:$0x3FFC];
	_ =	sdelay $0x3  }
0x94: {  	_ =	strace s3  }
0x95: {  	s3 =	sld [smem:$0x3FFD];
	_ =	sdelay $0x3  }
0x96: {  	_ =	strace s3  }
0x97: {  	_ =	strace $0x8FFFFFFF  }
0x98: {  	s19 =	sld [smem:$0x3FDB];
	_ =	sdelay $0x1  }
0x99: {  	s4 =	simm.s32 $_scs_section_size  }
0x9a: {  	s5 =	simm.s32 $_size__tile_overlayer_lowered;
	s6 =	simm.s32 $_tile_overlayer_lowered  }
0x9b: {  	s22 =	simm.s32 $0x1BFF;
	s21 =	sshll.u32 s6, $0x1;
	s3 =	sadd.s32 s4, s19  }
0x9c: {  	s7 =	simm.s32 $0x0;
	s20 =	sshll.u32 s5, $0x1;
	s5 =	sadd.s32 s21, s3  }
0x9d: {  	[timem:s7], [sflag:s22] =	dma.local [hbm:s5], s20  }
0x9e: {  	_ =	swait.ge [sflag:s22], s20  }
0x9f: {  	s4 =	ssub.s32 $0x0, s20;
	[sflag:s22] =	ssyncset.done $0x0  }
0xa0: {  	[sflag:s22] =	ssyncadd.s32 s4;
	_ =	sdelay $0x1  }
0xa1: {  	s23 =	simm.s32 $0x1B8B  }
0xa2: {  	_ =	swait.ge [sflag:s23], $0x1  }
0xa3: {  	[sflag:s23] =	ssyncset.done $0x0  }
0xa4: {  	s25 =	simm.s32 $0x1B8E;
	s24 =	sld [smem:$0x3FFE];
	[sflag:s23] =	ssyncadd.s32 $0xFFFFFFFF  }
0xa5: {  	s26 =	simm.s32 $execute0_lowered;
	[smem:$0x3FD2] =	sst s25  }
0xa6: {  	s5 =	sshll.u32 s26, $0x1;
	_ =	strace $0x8000004C;
	[dreg:$0x1] =	wrdreg $0xFFFFFFFF  }
0xa7: {  	s28 =	simm.s32 $_size_execute0_lowered;
	s3 =	sadd.s32 s3, s5;
	[dreg:$0x0] =	wrdreg $0x0  }
0xa8: {  	s5 =	sshll.u32 s28, $0x1;
	[dreg:$0x2] =	wrdreg s3  }
0xa9: {  	[dreg:$0x3] =	wrdreg s5  }
0xaa: {  	[dreg:$0x4] =	wrdreg $0xC0  }
0xab: {  	_ =	task [dreg:s7], $0x5FFFF  }
0xac: {  	[dreg:$0x1] =	wrdreg $0xFFFFFFFF  }
0xad: {  	[dreg:$0x0] =	wrdreg $0x60  }
0xae: {  	[dreg:$0x2] =	wrdreg s24  }
0xaf: {  	[dreg:$0x3] =	wrdreg s2  }
0xb0: {  	[dreg:$0x4] =	wrdreg $0x90000  }
0xb1: {  	[dreg:$0x5] =	wrdreg $0x9  }
0xb2: {  	_ =	task.clear_ibuf [dreg:s7], $0x6FFFF;
	_ =	strace $0x9000004C  }
0xb3: {  	s29 =	simm.s32 $0x9;
	_ =	strace $0x8000004E  }
0xb4: {  	_ =	swait.ge [sflag:s29], $0x1  }
0xb5: {  	[sflag:s29] =	ssyncadd.s32 $0xFFFFFFFF  }
0xb6: {  	_ =	strace $0x9000004E  }
0xb7: {  	_ =	sfence  }
0xb8: {  	s30 =	sld [smem:$0x0];
	_ =	sdelay $0x2  }
0xb9: {  	s31 =	sshll.u32 s1, $0xD;
	s1 =	sshrl.u32 s1, $0x2  }
0xba: {  	s3 =	sand.u32 $0x4000, s31;
	s1 =	sadd.s32 s1, s30  }
0xbb: {  	s0 =	sor.u32 s3, s0;
	s1 =	sshll.u32 s1, $0x11  }
0xbc: {  	s0 =	sor.u32 s1, s0  }
0xbd: {  	s0 =	sadd.s32 $0x8F2B, s0  }
0xbe: {  	[sflag:s0] =	ssyncadd.remote.s32 $0x1  }
0xbf: {  	_ =	sfence.sel $0xFFFF  }
0xc0: {  	[dreg:$0x0] =	wrdreg $0xFFFFFFFF;
	(pc) =	sbr.abs _section_cstart, $3  }
0xc1: {  	[dreg:$0x1] =	wrdreg $0xFFFFFFFF  }
0xc2: {  	_ =	task.clear_ibuf [dreg:s7], $0x2FFFF;
	_ =	strace $0x9FFFFFFF  }
0xc3: {  	(tm) =	ssettm $0x7FFFFFFF  }
tec
execute0_lowered:
.L_overlay_start_1:
0x0: {  	(tag) =	ssettag $0x1  }
0x1: {  	s5 =	rddreg [dreg:$0x0]  }
0x2: {  	s1 =	srdreg.scid;
	s10 =	rddreg [dreg:$0x1]  }
0x3: {  	s0 =	stileid.u32;
	s2 =	rddreg [dreg:$0x2]  }
0x4: {  	s3 =	simm.s32 $0x0;
	s15 =	simm.s32 $0x1;
	s16 =	simm.s32 $0x2800  }
0x5: {  	s17 =	simm.s32 $0x80;
	s6 =	sand.u32 $0x1, s1;
	s30 =	sshll.u32 s0, $0x1  }
0x6: {  	[smem:$0x7FF] =	sst s3;
	s8 =	smul.u32 $0x14000, s0;
	s4 =	sadd.s32 $0x1800, s5  }
0x7: {  	s9 =	smul.u32 $0x50000, s0;
	s18 =	sshll.u32 s0, $0x6;
	s1 =	sor.u32 s6, s30  }
0x8: {  	s7 =	smul.u32 $0x140000, s6;
	s6 =	ssub.s32 $0x2, s6;
	s18 =	sor.u32 $0x1C01, s18  }
0x9: {  	s11 =	smul.u32 $0x500, s1;
	s1 =	rddreg [dreg:$0x3];
	_ =	strace $0x8000004D  }
0xa: {  	s31 =	sshrl.u32 s6, $0x1;
	s9 =	sshrl.u32 s9, $0x2;
	s7 =	sadd.s32 s8, s7  }
0xb: {  	s14 =	ssub.s32 s6, s31;
	s12 =	sadd.s32 s11, s5;
	s7 =	sshrl.u32 s7, $0x3  }
0xc: {  	s10 =	sadd.s32 s10, s11;
	s13 =	sadd.s32 s7, s5;
	s5 =	sadd.s32 s9, s2  }
0xd: {  	s11 =	sadd.s32 $0x51800, s12;
	s6 =	sadd.s32 $0x4000, s5;
	s7 =	sadd.s32 $0x8000, s5  }
0xe: {  	s8 =	sadd.s32 $0xC000, s5;
	s9 =	sadd.s32 $0x10000, s5;
	s12 =	sadd.s32 $0x83A00, s13  }
0xf: {  	v0 =	vimm.f32 $0.0e+00;
	s13 =	smax.u32 s14, $0x1;
	s14 =	simm.s32 $0x5000;
	s19 =	sshrl.u32 s5, $0x3  }
.LBB2_1:
0x10: {  	s20 =	simm.s32 $0x0;
	s21 =	simm.s32 $0x200  }
.LBB2_2:
0x11: {  	p0 =	sne.s32 s21, $0xFE00;
	[tilespmem:s20+$0x5070] =	vst v0  }
0x12: {  	[tilespmem:s20+$0x5000] =	vst v0  }
0x13: {  	[tilespmem:s20+$0x5010] =	vst v0  }
.Ltmp0:
0x14: {  	[tilespmem:s20+$0x5020] =	vst v0;
	(pc) =	sbr.rel @p0 .LBB2_2-.Ltmp0, $4  }
0x15: {  	[tilespmem:s20+$0x5030] =	vst v0  }
0x16: {  	[tilespmem:s20+$0x5040] =	vst v0  }
0x17: {  	[tilespmem:s20+$0x5050] =	vst v0  }
0x18: {  	[tilespmem:s20+$0x5060] =	vst v0;
	s20 =	sshra.s32 s21, $0x2;
	s21 =	sadd.s32 $0x200, s21  }
0x19: {  	[tilespmem:s20+$0x5070] =	vst v0  }
0x1a: {  	[tilespmem:s20+$0x5000] =	vst v0  }
0x1b: {  	[tilespmem:s20+$0x5010] =	vst v0  }
0x1c: {  	[tilespmem:s20+$0x5020] =	vst v0  }
0x1d: {  	[tilespmem:s20+$0x5030] =	vst v0  }
0x1e: {  	[tilespmem:s20+$0x5040] =	vst v0  }
0x1f: {  	[tilespmem:s20+$0x5050] =	vst v0  }
0x20: {  	[tilespmem:s20+$0x5060] =	vst v0  }
0x21: {  	[spmem:s5] =	stream.linear.scatter [tilespmem:s14], [sflag:$0x1], $0x4000, $0x38;
	[tilespmem:$0x1D000] =	vst v63  }
0x22: {  	_ =	swait.ge [sflag:s15], $0x4000  }
0x23: {  	[sflag:s15] =	ssyncset.done $0x0  }
0x24: {  	[sflag:s15] =	ssyncadd.s32 $0xFFFFC000  }
0x25: {  	[spmem:s6] =	stream.linear.scatter [tilespmem:s14], [sflag:$0x1], $0x4000, $0x38;
	[tilespmem:$0x1D000] =	vst v63  }
0x26: {  	_ =	swait.ge [sflag:s15], $0x4000  }
0x27: {  	[sflag:s15] =	ssyncset.done $0x0  }
0x28: {  	[sflag:s15] =	ssyncadd.s32 $0xFFFFC000  }
0x29: {  	[spmem:s7] =	stream.linear.scatter [tilespmem:s14], [sflag:$0x1], $0x4000, $0x38;
	[tilespmem:$0x1D000] =	vst v63  }
0x2a: {  	_ =	swait.ge [sflag:s15], $0x4000  }
0x2b: {  	[sflag:s15] =	ssyncset.done $0x0  }
0x2c: {  	[sflag:s15] =	ssyncadd.s32 $0xFFFFC000  }
0x2d: {  	[spmem:s8] =	stream.linear.scatter [tilespmem:s14], [sflag:$0x1], $0x4000, $0x38;
	[tilespmem:$0x1D000] =	vst v63  }
0x2e: {  	_ =	swait.ge [sflag:s15], $0x4000  }
0x2f: {  	[sflag:s15] =	ssyncset.done $0x0  }
0x30: {  	[sflag:s15] =	ssyncadd.s32 $0xFFFFC000  }
0x31: {  	[spmem:s9] =	stream.linear.scatter [tilespmem:s14], [sflag:$0x1], $0x4000, $0x38;
	[tilespmem:$0x1D000] =	vst v63  }
0x32: {  	_ =	swait.ge [sflag:s15], $0x4000  }
0x33: {  	[sflag:s15] =	ssyncset.done $0x0  }
0x34: {  	[sflag:s15] =	ssyncadd.s32 $0xFFFFC000  }
0x35: {  	s29 =	simm.s32 $0x0;
	[bflag:$0x0] =	sbarrier.arrive $0xFFFF  }
0x36: {  	[tilespmem:s29], [sflag:$0x1] =	stream.linear.gather [hbm4b:s10+s29], $0x2780, $0x38;
	[tilespmem:$0x1D000] =	vst v63  }
0x37: {  	_ =	swait.ge [sflag:s15], $0x2780  }
0x38: {  	[sflag:s15] =	ssyncset.done $0x0  }
0x39: {  	[sflag:s15] =	ssyncadd.s32 $0xFFFFD880  }
0x3a: {  	[tilespmem:s16], [sflag:$0x1] =	stream.linear.gather [hbm4b:s11+s29], $0x2780, $0x38;
	[tilespmem:$0x1D000] =	vst v63  }
0x3b: {  	_ =	swait.ge [sflag:s15], $0x2780  }
0x3c: {  	[sflag:s15] =	ssyncset.done $0x0  }
0x3d: {  	s30 =	simm.s32 $0x0;
	[sflag:s15] =	ssyncadd.s32 $0xFFFFD880  }
0x3e: {  	[tilespmem:s14], [sflag:$0x1] =	stream.indirect.gather [hbm4b:s4+s17], $0x80, s30, s17, $0xb8;
	[tilespmem:$0x1D000] =	vst v63  }
0x3f: {  	_ =	swait.ge [sflag:s15], $0x4000  }
0x40: {  	[sflag:s15] =	ssyncset.done $0x0  }
0x41: {  	s31 =	simm.s32 $0x2800;
	[sflag:s15] =	ssyncadd.s32 $0xFFFFC000  }
0x42: {  	[spmem:s2] =	stream.indirect.scatter.add.f32 [tilespmem:s14], [sflag:$0x1], $0x80, s31, s17, $0xb8;
	[tilespmem:$0x1D000] =	vst v63  }
0x43: {  	_ =	swait.ge [sflag:s15], $0x4000  }
0x44: {  	s20 =	simm.s32 $0x200;
	s21 =	simm.s32 $0x400;
	[sflag:s15] =	ssyncset.done $0x0  }
.LBB2_4:
0x45: {  	s22 =	sshra.s32 s20, $0x2  }
0x46: {  	[sflag:s15] =	ssyncadd.s32 $0xFFFFC000;
	s20 =	smov.u32 s21;
	s23 =	sadd.s32 $0x200, s21  }
0x47: {  	[tilespmem:s14], [sflag:$0x1] =	stream.indirect.gather [hbm4b:s4+s17], $0x80, s22, s17, $0xb8;
	[tilespmem:$0x1D000] =	vst v63  }
0x48: {  	p0 =	sne.s32 s21, $0x9C00;
	_ =	swait.ge [sflag:s15], $0x4000  }
.Ltmp1:
0x49: {  	[sflag:s15] =	ssyncset.done $0x0;
	(pc) =	sbr.rel @p0 .LBB2_4-.Ltmp1, $4  }
0x4a: {  	s21 =	sadd.s32 $0x2800, s22;
	[sflag:s15] =	ssyncadd.s32 $0xFFFFC000  }
0x4b: {  	[spmem:s2] =	stream.indirect.scatter.add.f32 [tilespmem:s14], [sflag:$0x1], $0x80, s21, s17, $0xb8;
	[tilespmem:$0x1D000] =	vst v63  }
0x4c: {  	_ =	swait.ge [sflag:s15], $0x4000  }
0x4d: {  	s21 =	smov.u32 s23;
	[sflag:s15] =	ssyncset.done $0x0  }
0x4e: {  	s20 =	sshra.s32 s20, $0x2;
	[sflag:s15] =	ssyncadd.s32 $0xFFFFC000  }
0x4f: {  	[tilespmem:s14], [sflag:$0x1] =	stream.indirect.gather [hbm4b:s4+s17], $0x80, s20, s17, $0xb8;
	[tilespmem:$0x1D000] =	vst v63  }
0x50: {  	_ =	swait.ge [sflag:s15], $0x4000  }
0x51: {  	[sflag:s15] =	ssyncset.done $0x0  }
0x52: {  	s20 =	sadd.s32 $0x2800, s20;
	[sflag:s15] =	ssyncadd.s32 $0xFFFFC000  }
0x53: {  	[spmem:s2] =	stream.indirect.scatter.add.f32 [tilespmem:s14], [sflag:$0x1], $0x80, s20, s17, $0xb8;
	[tilespmem:$0x1D000] =	vst v63  }
0x54: {  	_ =	swait.ge [sflag:s15], $0x4000  }
0x55: {  	s3 =	sadd.s32 $0x1, s3;
	[sflag:s15] =	ssyncset.done $0x0  }
0x56: {  	p0 =	sne.s32 s3, s13;
	[sflag:s15] =	ssyncadd.s32 $0xFFFFC000  }
.Ltmp2:
0x57: {  	[bflag:$0x0] =	sbarrier.arrive $0xFFFF;
	(pc) =	sbr.rel @p0 .LBB2_1-.Ltmp2, $4  }
0x58: {  	[hbm:s12], [sflag:s18] =	dma.local [spmem:s19], $0x2800  }
0x59: {  	_ =	swait.ge [sflag:s15], $0x2800  }
0x5a: {  	[sflag:s15] =	ssyncset.done $0x0  }
0x5b: {  	[sflag:s15] =	ssyncadd.s32 $0xFFFFD800  }
0x5c: {  	_ =	sfence.sel $0x180000  }
0x5d: {  	[bflag:$0x0] =	sbarrier.arrive $0xFFFF  }
0x5e: {  	p0 =	sne.s32 s0, $0x0;
	_ =	strace $0x9000004D  }
0x5f: {  	s0 =	sadd.s32 @!p0 $0x100000, s1;
	[bflag:$0x2] =	sbarrier.arrive $0xFFFF  }
0x60: {  	[sflag:s0] =	ssyncadd.tile.s32 @!p0 $0x1;
	_ =	shalt  }
.Lfunc_end2:
_tile_overlayer_lowered:
.L_overlay_start_2:
0x61: {  	(tag) =	ssettag $0x2  }
0x62: {  	s0 =	rddreg [dreg:$0x0];
	s2 =	stileid.u32  }
0x63: {  	s1 =	rddreg [dreg:$0x1];
	p0 =	sne.s32 s2, $0x0  }
0x64: {  	s3 =	rddreg [dreg:$0x2];
	[bflag:$0x3] =	sbarrier.arrive $0xFFFF;
	s2 =	simm.s32 @!p0 $0x1C01  }
0x65: {  	[timem:s3], [sflag:s2] =	dma.local @!p0 [hbm:s0], s1  }
0x66: {  	s0 =	simm.s32 @!p0 $0x1  }
0x67: {  	_ =	swait.ge @!p0 [sflag:s0], s1  }
0x68: {  	s1 =	ssub.s32 @!p0 $0x0, s1;
	[sflag:s0] =	ssyncset.done @!p0 $0x0  }
0x69: {  	[sflag:s0] =	ssyncadd.s32 @!p0 s1  }
0x6a: {  	[bflag:$0x3] =	sbarrier.arrive $0xFFFF  }
0x6b: {  	_ =	shalt  }

// kernel: kernel.6.cloned.1.call-start
scs
__scs_entry_jumppad:
0x0: {  	(pc) =	sbr.rel $0x88, $3  }
0x1: {  	(tag) =	ssettag $0x0;
	lr =	simm.s32 $0x1  }
0x2: {  	[smem:$0x3F9E] =	sst lr;
	_ =	strace $0xD0000000  }
0x3: {  	_ = 	snop  }
0x4: {  	_ = 	snop  }
0x5: {  	_ = 	snop  }
0x6: {  	_ = 	snop  }
0x7: {  	_ = 	snop  }
__scs_overlays_trampoline_lowered:
0x8: {  	[smem:$0x3FAD] =	sst s0  }
0x9: {  	[smem:$0x3FAE] =	sst s1  }
0xa: {  	[smem:$0x3FAF] =	sst s2  }
0xb: {  	[smem:$0x3FB0] =	sst s3  }
0xc: {  	[smem:$0x3FB1] =	sst s4  }
0xd: {  	[smem:$0x3FB2] =	sst s5  }
0xe: {  	[smem:$0x3FB3] =	sst s6  }
0xf: {  	[smem:$0x3FB4] =	sst s7  }
0x10: {  	[smem:$0x3FB5] =	sst s8  }
0x11: {  	[smem:$0x3FB6] =	sst s9;
	s0 =	simm.s32 @!p0 $0x0  }
0x12: {  	s1 =	sld [smem:$0x3F9C];
	s0 =	simm.s32 @p0 $0x1  }
0x13: {  	[smem:$0x3FB7] =	sst s0;
	s0 =	simm.s32 @!p1 $0x0  }
0x14: {  	s2 =	sld [smem:$0x3F9B];
	s0 =	simm.s32 @p1 $0x1  }
0x15: {  	[smem:$0x3FB8] =	sst s0;
	s0 =	simm.s32 @!p2 $0x0  }
0x16: {  	s3 =	sld [smem:$0x3FDB];
	s0 =	simm.s32 @p2 $0x1  }
0x17: {  	s4 =	simm.s32 $0x1BF5;
	[smem:$0x3FBA] =	sst s0  }
0x18: {  	s0 =	sld [smem:$0x3F9D];
	_ =	swait.ge [sflag:s4], $0x0  }
0x19: {  	s7 =	sld [smem:$0x3F9E]  }
0x1a: {  	s8 =	sadd.s32 $0xFFFFE003, lr  }
0x1b: {  	s9 =	sadd.s32 $0xFFFFFEF7, lr;
	s5 =	simm.s32 $0xFFFFFFFF;
	p2 =	slt.u32 s8, $0xFFFFF086  }
0x1c: {  	p1 =	slt.u32 s9, $0xF7A;
	s5 =	simm.s32 @!p2 $0x0  }
0x1d: {  	s5 =	simm.s32 @p1 $0x1;
	p0 =	seq.s32 s7, s2  }
0x1e: {  	s7 =	smul.u32 @!p0 $0xF7A, s2;
	p2 =	seq.s32 @!p0 s5, $0x0  }
0x1f: {  	s9 =	smul.u32 $0xF7A, s1;
	s8 =	simm.s32 @!p0 $0x1BF5;
	p2 =	por !p2, p0  }
0x20: {  	[sflag:s8] =	ssyncset.s32 @!p0 $0xFFFFF086;
	s6 =	sadd.s32 @!p0 s3, s7;
	s7 =	simm.s32 @!p0 $0x108  }
0x21: {  	s3 =	sadd.s32 s3, s9;
	s6 =	sadd.s32 @!p0 $0x88, s6;
	s7 =	simm.s32 @p2 $0x1082  }
0x22: {  	[simem:s7], [sflag:s8] =	dma.local @!p0 [hbm:s6], $0xF7A  }
0x23: {  	s9 =	sor.u32 $0xD0000000, s2;
	s6 =	simm.s32 $0x108;
	_ =	swait.ge @!p0 [sflag:s8], $0x0  }
0x24: {  	s3 =	sadd.s32 $0x88, s3;
	s6 =	simm.s32 @!p1 $0x1082;
	[sflag:s4] =	ssyncset.s32 $0xFFFFF086  }
0x25: {  	[simem:s6], [sflag:s4] =	dma.local [hbm:s3], $0xF7A  }
0x26: {  	[smem:$0x3F9E] =	sst s1;
	(tag) =	ssettag s2;
	_ =	strace s9  }
0x27: {  	s1 =	sld [smem:$0x3FAE]  }
0x28: {  	s2 =	sld [smem:$0x3FAF]  }
0x29: {  	s4 =	sld [smem:$0x3FB1]  }
0x2a: {  	p0 =	seq.s32 s5, $0x0;
	s5 =	sld [smem:$0x3FB2]  }
0x2b: {  	s6 =	sld [smem:$0x3FB3]  }
0x2c: {  	s7 =	sld [smem:$0x3FB4]  }
0x2d: {  	s3 =	simm.s32 $0x108;
	s8 =	sld [smem:$0x3FB5]  }
0x2e: {  	s3 =	simm.s32 @!p0 $0x1082;
	s9 =	sld [smem:$0x3FB6]  }
0x2f: {  	lr =	sadd.s32 s0, s3;
	s0 =	sld [smem:$0x3FAD]  }
0x30: {  	s3 =	sld [smem:$0x3FB0]  }
0x31: {  	[smem:$0x3FB9] =	sst s10  }
0x32: {  	s10 =	sld [smem:$0x3FB7];
	_ =	sdelay $0x3  }
0x33: {  	p0 =	seq.s32 s10, $0x1;
	s10 =	sld [smem:$0x3FB9];
	_ =	sdelay $0x3  }
0x34: {  	[smem:$0x3FB9] =	sst s10  }
0x35: {  	s10 =	sld [smem:$0x3FB8];
	_ =	sdelay $0x3  }
0x36: {  	p1 =	seq.s32 s10, $0x1;
	s10 =	sld [smem:$0x3FB9];
	_ =	sdelay $0x3  }
0x37: {  	[smem:$0x3FB9] =	sst s10  }
0x38: {  	s10 =	sld [smem:$0x3FBA]  }
0x39: {  	_ = 	snop;
	(pc) =	sbr.ind lr, $3  }
0x3a: {  	_ = 	snop  }
0x3b: {  	_ = 	snop  }
0x3c: {  	p2 =	seq.s32 s10, $0x1;
	s10 =	sld [smem:$0x3FB9]  }
0x3d: {  	_ =	shalt  }
0x3e: {  	_ =	shalt  }
0x3f: {  	_ =	shalt  }
0x40: {  	_ =	shalt  }
0x41: {  	_ =	shalt  }
0x42: {  	_ =	shalt  }
0x43: {  	_ =	shalt  }
0x44: {  	_ =	shalt  }
0x45: {  	_ =	shalt  }
0x46: {  	_ =	shalt  }
0x47: {  	_ =	shalt  }
0x48: {  	_ =	shalt  }
0x49: {  	_ =	shalt  }
0x4a: {  	_ =	shalt  }
0x4b: {  	_ =	shalt  }
0x4c: {  	_ =	shalt  }
0x4d: {  	_ =	shalt  }
0x4e: {  	_ =	shalt  }
0x4f: {  	_ =	shalt  }
0x50: {  	_ =	shalt  }
0x51: {  	_ =	shalt  }
0x52: {  	_ =	shalt  }
0x53: {  	_ =	shalt  }
0x54: {  	_ =	shalt  }
0x55: {  	_ =	shalt  }
0x56: {  	_ =	shalt  }
0x57: {  	_ =	shalt  }
0x58: {  	_ =	shalt  }
0x59: {  	_ =	shalt  }
0x5a: {  	_ =	shalt  }
0x5b: {  	_ =	shalt  }
0x5c: {  	_ =	shalt  }
0x5d: {  	_ =	shalt  }
0x5e: {  	_ =	shalt  }
0x5f: {  	_ =	shalt  }
0x60: {  	_ =	shalt  }
0x61: {  	_ =	shalt  }
0x62: {  	_ =	shalt  }
0x63: {  	_ =	shalt  }
0x64: {  	_ =	shalt  }
0x65: {  	_ =	shalt  }
0x66: {  	_ =	shalt  }
0x67: {  	_ =	shalt  }
0x68: {  	_ =	shalt  }
0x69: {  	_ =	shalt  }
0x6a: {  	_ =	shalt  }
0x6b: {  	_ =	shalt  }
0x6c: {  	_ =	shalt  }
0x6d: {  	_ =	shalt  }
0x6e: {  	_ =	shalt  }
0x6f: {  	_ =	shalt  }
0x70: {  	_ =	shalt  }
0x71: {  	_ =	shalt  }
0x72: {  	_ =	shalt  }
0x73: {  	_ =	shalt  }
0x74: {  	_ =	shalt  }
0x75: {  	_ =	shalt  }
0x76: {  	_ =	shalt  }
0x77: {  	_ =	shalt  }
0x78: {  	_ =	shalt  }
0x79: {  	_ =	shalt  }
0x7a: {  	_ =	shalt  }
0x7b: {  	_ =	shalt  }
0x7c: {  	_ =	shalt  }
0x7d: {  	_ =	shalt  }
0x7e: {  	_ =	shalt  }
0x7f: {  	_ =	shalt  }
0x80: {  	_ =	shalt  }
0x81: {  	_ =	shalt  }
0x82: {  	_ =	shalt  }
0x83: {  	_ =	shalt  }
0x84: {  	_ =	shalt  }
0x85: {  	_ =	shalt  }
0x86: {  	_ =	shalt  }
0x87: {  	_ =	shalt  }
.Lfunc_end0:
.L_simem_size_0:
called_computation.1_lowered:
.L_overlay_start_0:
0x88: {  	s2 =	sld [smem:$0x3FD9]  }
0x89: {  	s3 =	sld [smem:$0x3FFE];
	_ =	sdelay $0x1  }
0x8a: {  	s1 =	srdreg.scid  }
0x8b: {  	s0 =	sand.u32 $0x1, s1  }
0x8c: {  	s17 =	sshll.u32 s0, $0xA;
	s2 =	sadd.s32 s3, s2  }
0x8d: {  	s2 =	sadd.s32 s2, s17  }
0x8e: {  	[smem:$0x3FC5] =	sst s2  }
0x8f: {  	_ = 	snop  }
0x90: {  	s2 =	sld [smem:$0x3FD0];
	(tm) =	ssettm $0x1  }
0x91: {  	s18 =	sld [smem:$0x3FFB];
	_ =	sdelay $0x3  }
0x92: {  	_ =	strace s18  }
0x93: {  	s3 =	sld [smem:$0x3FFC];
	_ =	sdelay $0x3  }
0x94: {  	_ =	strace s3  }
0x95: {  	s3 =	sld [smem:$0x3FFD];
	_ =	sdelay $0x3  }
0x96: {  	_ =	strace s3  }
0x97: {  	_ =	strace $0x8FFFFFFF  }
0x98: {  	s19 =	sld [smem:$0x3FDB];
	_ =	sdelay $0x1  }
0x99: {  	s4 =	simm.s32 $_scs_section_size  }
0x9a: {  	s5 =	simm.s32 $_size__tile_overlayer_lowered;
	s6 =	simm.s32 $_tile_overlayer_lowered  }
0x9b: {  	s22 =	simm.s32 $0x1BFF;
	s21 =	sshll.u32 s6, $0x1;
	s3 =	sadd.s32 s4, s19  }
0x9c: {  	s7 =	simm.s32 $0x0;
	s20 =	sshll.u32 s5, $0x1;
	s5 =	sadd.s32 s21, s3  }
0x9d: {  	[timem:s7], [sflag:s22] =	dma.local [hbm:s5], s20  }
0x9e: {  	_ =	swait.ge [sflag:s22], s20  }
0x9f: {  	s4 =	ssub.s32 $0x0, s20;
	[sflag:s22] =	ssyncset.done $0x0  }
0xa0: {  	[sflag:s22] =	ssyncadd.s32 s4;
	_ =	sdelay $0x1  }
0xa1: {  	s23 =	simm.s32 $0x1B8B  }
0xa2: {  	_ =	swait.ge [sflag:s23], $0x1  }
0xa3: {  	[sflag:s23] =	ssyncset.done $0x0  }
0xa4: {  	s25 =	simm.s32 $0x1B8E;
	s24 =	sld [smem:$0x3FFE];
	[sflag:s23] =	ssyncadd.s32 $0xFFFFFFFF  }
0xa5: {  	s26 =	simm.s32 $execute0_lowered;
	[smem:$0x3FD2] =	sst s25  }
0xa6: {  	s5 =	sshll.u32 s26, $0x1;
	_ =	strace $0x80000046;
	[dreg:$0x1] =	wrdreg $0xFFFFFFFF  }
0xa7: {  	s28 =	simm.s32 $_size_execute0_lowered;
	s3 =	sadd.s32 s3, s5;
	[dreg:$0x0] =	wrdreg $0x0  }
0xa8: {  	s5 =	sshll.u32 s28, $0x1;
	[dreg:$0x2] =	wrdreg s3  }
0xa9: {  	[dreg:$0x3] =	wrdreg s5  }
0xaa: {  	[dreg:$0x4] =	wrdreg $0xC0  }
0xab: {  	_ =	task [dreg:s7], $0x5FFFF  }
0xac: {  	[dreg:$0x1] =	wrdreg $0xFFFFFFFF  }
0xad: {  	[dreg:$0x0] =	wrdreg $0x60  }
0xae: {  	[dreg:$0x2] =	wrdreg s2  }
0xaf: {  	[dreg:$0x3] =	wrdreg s24  }
0xb0: {  	[dreg:$0x4] =	wrdreg $0x68000  }
0xb1: {  	[dreg:$0x5] =	wrdreg $0x9  }
0xb2: {  	_ =	task.clear_ibuf [dreg:s7], $0x6FFFF;
	_ =	strace $0x90000046  }
0xb3: {  	s29 =	simm.s32 $0x9;
	_ =	strace $0x80000048  }
0xb4: {  	_ =	swait.ge [sflag:s29], $0x1  }
0xb5: {  	[sflag:s29] =	ssyncadd.s32 $0xFFFFFFFF  }
0xb6: {  	_ =	strace $0x90000048  }
0xb7: {  	_ =	sfence  }
0xb8: {  	s30 =	sld [smem:$0x0];
	_ =	sdelay $0x2  }
0xb9: {  	s31 =	sshll.u32 s1, $0xD;
	s1 =	sshrl.u32 s1, $0x2  }
0xba: {  	s3 =	sand.u32 $0x4000, s31;
	s1 =	sadd.s32 s1, s30  }
0xbb: {  	s0 =	sor.u32 s3, s0;
	s1 =	sshll.u32 s1, $0x11  }
0xbc: {  	s0 =	sor.u32 s1, s0  }
0xbd: {  	s0 =	sadd.s32 $0x8F2B, s0  }
0xbe: {  	[sflag:s0] =	ssyncadd.remote.s32 $0x1  }
0xbf: {  	_ =	sfence.sel $0xFFFF  }
0xc0: {  	[dreg:$0x0] =	wrdreg $0xFFFFFFFF;
	(pc) =	sbr.abs _section_cstart, $3  }
0xc1: {  	[dreg:$0x1] =	wrdreg $0xFFFFFFFF  }
0xc2: {  	_ =	task.clear_ibuf [dreg:s7], $0x2FFFF;
	_ =	strace $0x9FFFFFFF  }
0xc3: {  	(tm) =	ssettm $0x7FFFFFFF  }
tec
execute0_lowered:
.L_overlay_start_1:
0x0: {  	(tag) =	ssettag $0x1  }
0x1: {  	s9 =	rddreg [dreg:$0x0]  }
0x2: {  	s6 =	rddreg [dreg:$0x1]  }
0x3: {  	s0 =	srdreg.scid;
	s2 =	rddreg [dreg:$0x2]  }
0x4: {  	s1 =	rddreg [dreg:$0x3];
	s3 =	simm.s32 $0x0;
	s4 =	sand.u32 $0x1, s0  }
0x5: {  	s13 =	simm.s32 $0x1;
	s0 =	stileid.u32;
	s5 =	smul.u32 $0x140000, s4  }
0x6: {  	s14 =	simm.s32 $0x80;
	[smem:$0x7FF] =	sst s3;
	s7 =	smul.u32 $0x14000, s0  }
0x7: {  	s29 =	smul.u32 $0x50000, s0;
	_ =	strace $0x80000047;
	s30 =	ssub.s32 $0x2, s4  }
0x8: {  	s31 =	sshll.u32 s0, $0x1;
	s15 =	sshll.u32 s0, $0x6;
	s8 =	sshrl.u32 s30, $0x1  }
0x9: {  	s15 =	sor.u32 $0x1C01, s15;
	s5 =	sadd.s32 s7, s5;
	s11 =	ssub.s32 s30, s8  }
0xa: {  	s7 =	sshrl.u32 s29, $0x2;
	s5 =	sshrl.u32 s5, $0x3;
	s11 =	smax.u32 s11, $0x1  }
0xb: {  	s10 =	sadd.s32 s5, s6;
	s6 =	sor.u32 s4, s31;
	s4 =	sadd.s32 s7, s2  }
0xc: {  	s5 =	sadd.s32 $0x4000, s4;
	s12 =	smul.u32 $0x500, s6;
	s6 =	sadd.s32 $0x8000, s4  }
0xd: {  	s7 =	sadd.s32 $0xC000, s4;
	s8 =	sadd.s32 $0x10000, s4;
	s10 =	sadd.s32 $0x1800, s10  }
0xe: {  	v0 =	vimm.f32 $0.0e+00;
	v1 =	vimm.f32 $1.000000000e+00;
	s16 =	sshrl.u32 s4, $0x3;
	s9 =	sadd.s32 s9, s12;
	s12 =	simm.s32 $0x2800  }
.LBB2_1:
0xf: {  	s17 =	simm.s32 $0x0;
	s18 =	simm.s32 $0x200  }
.LBB2_2:
0x10: {  	p0 =	sne.s32 s18, $0xFE00;
	[tilespmem:s17+$0x2870] =	vst v0  }
0x11: {  	[tilespmem:s17+$0x2800] =	vst v0  }
0x12: {  	[tilespmem:s17+$0x2810] =	vst v0  }
.Ltmp0:
0x13: {  	[tilespmem:s17+$0x2820] =	vst v0;
	(pc) =	sbr.rel @p0 .LBB2_2-.Ltmp0, $4  }
0x14: {  	[tilespmem:s17+$0x2830] =	vst v0  }
0x15: {  	[tilespmem:s17+$0x2840] =	vst v0  }
0x16: {  	[tilespmem:s17+$0x2850] =	vst v0  }
0x17: {  	[tilespmem:s17+$0x2860] =	vst v0;
	s17 =	sshra.s32 s18, $0x2;
	s18 =	sadd.s32 $0x200, s18  }
0x18: {  	[tilespmem:s17+$0x2870] =	vst v0  }
0x19: {  	[tilespmem:s17+$0x2800] =	vst v0  }
0x1a: {  	[tilespmem:s17+$0x2810] =	vst v0  }
0x1b: {  	[tilespmem:s17+$0x2820] =	vst v0  }
0x1c: {  	[tilespmem:s17+$0x2830] =	vst v0  }
0x1d: {  	[tilespmem:s17+$0x2840] =	vst v0  }
0x1e: {  	[tilespmem:s17+$0x2850] =	vst v0  }
0x1f: {  	[tilespmem:s17+$0x2860] =	vst v0  }
0x20: {  	[spmem:s4] =	stream.linear.scatter [tilespmem:s12], [sflag:$0x1], $0x4000, $0x38;
	[tilespmem:$0x1A800] =	vst v63  }
0x21: {  	_ =	swait.ge [sflag:s13], $0x4000  }
0x22: {  	[sflag:s13] =	ssyncset.done $0x0  }
0x23: {  	[sflag:s13] =	ssyncadd.s32 $0xFFFFC000  }
0x24: {  	[spmem:s5] =	stream.linear.scatter [tilespmem:s12], [sflag:$0x1], $0x4000, $0x38;
	[tilespmem:$0x1A800] =	vst v63  }
0x25: {  	_ =	swait.ge [sflag:s13], $0x4000  }
0x26: {  	[sflag:s13] =	ssyncset.done $0x0  }
0x27: {  	[sflag:s13] =	ssyncadd.s32 $0xFFFFC000  }
0x28: {  	[spmem:s6] =	stream.linear.scatter [tilespmem:s12], [sflag:$0x1], $0x4000, $0x38;
	[tilespmem:$0x1A800] =	vst v63  }
0x29: {  	_ =	swait.ge [sflag:s13], $0x4000  }
0x2a: {  	[sflag:s13] =	ssyncset.done $0x0  }
0x2b: {  	[sflag:s13] =	ssyncadd.s32 $0xFFFFC000  }
0x2c: {  	[spmem:s7] =	stream.linear.scatter [tilespmem:s12], [sflag:$0x1], $0x4000, $0x38;
	[tilespmem:$0x1A800] =	vst v63  }
0x2d: {  	_ =	swait.ge [sflag:s13], $0x4000  }
0x2e: {  	[sflag:s13] =	ssyncset.done $0x0  }
0x2f: {  	[sflag:s13] =	ssyncadd.s32 $0xFFFFC000  }
0x30: {  	[spmem:s8] =	stream.linear.scatter [tilespmem:s12], [sflag:$0x1], $0x4000, $0x38;
	[tilespmem:$0x1A800] =	vst v63  }
0x31: {  	_ =	swait.ge [sflag:s13], $0x4000  }
0x32: {  	[sflag:s13] =	ssyncset.done $0x0  }
0x33: {  	[sflag:s13] =	ssyncadd.s32 $0xFFFFC000  }
0x34: {  	s31 =	simm.s32 $0x0;
	[bflag:$0x0] =	sbarrier.arrive $0xFFFF  }
0x35: {  	[tilespmem:s31], [sflag:$0x1] =	stream.linear.gather [hbm4b:s9+s31], $0x2780, $0x38;
	[tilespmem:$0x1A800] =	vst v63  }
0x36: {  	_ =	swait.ge [sflag:s13], $0x2780  }
0x37: {  	[sflag:s13] =	ssyncset.done $0x0  }
0x38: {  	s17 =	simm.s32 $0x0;
	s18 =	simm.s32 $0x200;
	[sflag:s13] =	ssyncadd.s32 $0xFFFFD880  }
.LBB2_4:
0x39: {  	p0 =	sne.s32 s18, $0xFE00;
	[tilespmem:s17+$0x2870] =	vst v1  }
0x3a: {  	[tilespmem:s17+$0x2800] =	vst v1  }
0x3b: {  	[tilespmem:s17+$0x2810] =	vst v1  }
.Ltmp1:
0x3c: {  	[tilespmem:s17+$0x2820] =	vst v1;
	(pc) =	sbr.rel @p0 .LBB2_4-.Ltmp1, $4  }
0x3d: {  	[tilespmem:s17+$0x2830] =	vst v1  }
0x3e: {  	[tilespmem:s17+$0x2840] =	vst v1  }
0x3f: {  	[tilespmem:s17+$0x2850] =	vst v1  }
0x40: {  	[tilespmem:s17+$0x2860] =	vst v1;
	s17 =	sshra.s32 s18, $0x2;
	s18 =	sadd.s32 $0x200, s18  }
0x41: {  	[tilespmem:s17+$0x2870] =	vst v1  }
0x42: {  	[tilespmem:s17+$0x2800] =	vst v1  }
0x43: {  	[tilespmem:s17+$0x2810] =	vst v1  }
0x44: {  	[tilespmem:s17+$0x2820] =	vst v1  }
0x45: {  	[tilespmem:s17+$0x2830] =	vst v1  }
0x46: {  	[tilespmem:s17+$0x2840] =	vst v1  }
0x47: {  	[tilespmem:s17+$0x2850] =	vst v1  }
0x48: {  	[tilespmem:s17+$0x2860] =	vst v1;
	s31 =	simm.s32 $0x0  }
0x49: {  	[spmem:s2] =	stream.indirect.scatter.add.f32 [tilespmem:s12], [sflag:$0x1], $0x80, s31, s14, $0xb8;
	[tilespmem:$0x1A800] =	vst v63  }
0x4a: {  	_ =	swait.ge [sflag:s13], $0x4000  }
0x4b: {  	s17 =	simm.s32 $0x200;
	[sflag:s13] =	ssyncset.done $0x0  }
.LBB2_6:
0x4c: {  	s18 =	sshra.s32 s17, $0x2;
	[sflag:s13] =	ssyncadd.s32 $0xFFFFC000;
	p0 =	sne.s32 s17, $0x9C00  }
0x4d: {  	[spmem:s2] =	stream.indirect.scatter.add.f32 [tilespmem:s12], [sflag:$0x1], $0x80, s18, s14, $0xb8;
	[tilespmem:$0x1A800] =	vst v63  }
.Ltmp2:
0x4e: {  	_ = 	snop;
	(pc) =	sbr.rel @p0 .LBB2_6-.Ltmp2, $4  }
0x4f: {  	_ = 	snop  }
0x50: {  	s17 =	sadd.s32 $0x200, s17  }
0x51: {  	_ =	swait.ge [sflag:s13], $0x4000  }
0x52: {  	[sflag:s13] =	ssyncset.done $0x0  }
0x53: {  	s3 =	sadd.s32 $0x1, s3  }
0x54: {  	[sflag:s13] =	ssyncadd.s32 $0xFFFFC000;
	p0 =	sne.s32 s3, s11  }
.Ltmp3:
0x55: {  	[bflag:$0x0] =	sbarrier.arrive $0xFFFF;
	(pc) =	sbr.rel @p0 .LBB2_1-.Ltmp3, $4  }
0x56: {  	[hbm:s10], [sflag:s15] =	dma.local [spmem:s16], $0x2800  }
0x57: {  	_ =	swait.ge [sflag:s13], $0x2800  }
0x58: {  	[sflag:s13] =	ssyncset.done $0x0  }
0x59: {  	[sflag:s13] =	ssyncadd.s32 $0xFFFFD800  }
0x5a: {  	_ =	sfence.sel $0x180000  }
0x5b: {  	[bflag:$0x0] =	sbarrier.arrive $0xFFFF  }
0x5c: {  	p0 =	sne.s32 s0, $0x0;
	_ =	strace $0x90000047  }
0x5d: {  	s0 =	sadd.s32 @!p0 $0x100000, s1;
	[bflag:$0x2] =	sbarrier.arrive $0xFFFF  }
0x5e: {  	[sflag:s0] =	ssyncadd.tile.s32 @!p0 $0x1;
	_ =	shalt  }
.Lfunc_end2:
_tile_overlayer_lowered:
.L_overlay_start_2:
0x5f: {  	(tag) =	ssettag $0x2  }
0x60: {  	s0 =	rddreg [dreg:$0x0];
	s2 =	stileid.u32  }
0x61: {  	s1 =	rddreg [dreg:$0x1];
	p0 =	sne.s32 s2, $0x0  }
0x62: {  	s3 =	rddreg [dreg:$0x2];
	[bflag:$0x3] =	sbarrier.arrive $0xFFFF;
	s2 =	simm.s32 @!p0 $0x1C01  }
0x63: {  	[timem:s3], [sflag:s2] =	dma.local @!p0 [hbm:s0], s1  }
0x64: {  	s0 =	simm.s32 @!p0 $0x1  }
0x65: {  	_ =	swait.ge @!p0 [sflag:s0], s1  }
0x66: {  	s1 =	ssub.s32 @!p0 $0x0, s1;
	[sflag:s0] =	ssyncset.done @!p0 $0x0  }
0x67: {  	[sflag:s0] =	ssyncadd.s32 @!p0 s1  }
0x68: {  	[bflag:$0x3] =	sbarrier.arrive $0xFFFF  }
0x69: {  	_ =	shalt  }

// kernel: kernel.9.cloned.1.call-start
scs
__scs_entry_jumppad:
0x0: {  	(pc) =	sbr.rel $0x88, $3  }
0x1: {  	(tag) =	ssettag $0x0;
	lr =	simm.s32 $0x1  }
0x2: {  	[smem:$0x3F9E] =	sst lr;
	_ =	strace $0xD0000000  }
0x3: {  	_ = 	snop  }
0x4: {  	_ = 	snop  }
0x5: {  	_ = 	snop  }
0x6: {  	_ = 	snop  }
0x7: {  	_ = 	snop  }
__scs_overlays_trampoline_lowered:
0x8: {  	[smem:$0x3FAD] =	sst s0  }
0x9: {  	[smem:$0x3FAE] =	sst s1  }
0xa: {  	[smem:$0x3FAF] =	sst s2  }
0xb: {  	[smem:$0x3FB0] =	sst s3  }
0xc: {  	[smem:$0x3FB1] =	sst s4  }
0xd: {  	[smem:$0x3FB2] =	sst s5  }
0xe: {  	[smem:$0x3FB3] =	sst s6  }
0xf: {  	[smem:$0x3FB4] =	sst s7  }
0x10: {  	[smem:$0x3FB5] =	sst s8  }
0x11: {  	[smem:$0x3FB6] =	sst s9;
	s0 =	simm.s32 @!p0 $0x0  }
0x12: {  	s1 =	sld [smem:$0x3F9C];
	s0 =	simm.s32 @p0 $0x1  }
0x13: {  	[smem:$0x3FB7] =	sst s0;
	s0 =	simm.s32 @!p1 $0x0  }
0x14: {  	s2 =	sld [smem:$0x3F9B];
	s0 =	simm.s32 @p1 $0x1  }
0x15: {  	[smem:$0x3FB8] =	sst s0;
	s0 =	simm.s32 @!p2 $0x0  }
0x16: {  	s3 =	sld [smem:$0x3FDB];
	s0 =	simm.s32 @p2 $0x1  }
0x17: {  	s4 =	simm.s32 $0x1BF5;
	[smem:$0x3FBA] =	sst s0  }
0x18: {  	s0 =	sld [smem:$0x3F9D];
	_ =	swait.ge [sflag:s4], $0x0  }
0x19: {  	s7 =	sld [smem:$0x3F9E]  }
0x1a: {  	s8 =	sadd.s32 $0xFFFFE003, lr  }
0x1b: {  	s9 =	sadd.s32 $0xFFFFFEF7, lr;
	s5 =	simm.s32 $0xFFFFFFFF;
	p2 =	slt.u32 s8, $0xFFFFF086  }
0x1c: {  	p1 =	slt.u32 s9, $0xF7A;
	s5 =	simm.s32 @!p2 $0x0  }
0x1d: {  	s5 =	simm.s32 @p1 $0x1;
	p0 =	seq.s32 s7, s2  }
0x1e: {  	s7 =	smul.u32 @!p0 $0xF7A, s2;
	p2 =	seq.s32 @!p0 s5, $0x0  }
0x1f: {  	s9 =	smul.u32 $0xF7A, s1;
	s8 =	simm.s32 @!p0 $0x1BF5;
	p2 =	por !p2, p0  }
0x20: {  	[sflag:s8] =	ssyncset.s32 @!p0 $0xFFFFF086;
	s6 =	sadd.s32 @!p0 s3, s7;
	s7 =	simm.s32 @!p0 $0x108  }
0x21: {  	s3 =	sadd.s32 s3, s9;
	s6 =	sadd.s32 @!p0 $0x88, s6;
	s7 =	simm.s32 @p2 $0x1082  }
0x22: {  	[simem:s7], [sflag:s8] =	dma.local @!p0 [hbm:s6], $0xF7A  }
0x23: {  	s9 =	sor.u32 $0xD0000000, s2;
	s6 =	simm.s32 $0x108;
	_ =	swait.ge @!p0 [sflag:s8], $0x0  }
0x24: {  	s3 =	sadd.s32 $0x88, s3;
	s6 =	simm.s32 @!p1 $0x1082;
	[sflag:s4] =	ssyncset.s32 $0xFFFFF086  }
0x25: {  	[simem:s6], [sflag:s4] =	dma.local [hbm:s3], $0xF7A  }
0x26: {  	[smem:$0x3F9E] =	sst s1;
	(tag) =	ssettag s2;
	_ =	strace s9  }
0x27: {  	s1 =	sld [smem:$0x3FAE]  }
0x28: {  	s2 =	sld [smem:$0x3FAF]  }
0x29: {  	s4 =	sld [smem:$0x3FB1]  }
0x2a: {  	p0 =	seq.s32 s5, $0x0;
	s5 =	sld [smem:$0x3FB2]  }
0x2b: {  	s6 =	sld [smem:$0x3FB3]  }
0x2c: {  	s7 =	sld [smem:$0x3FB4]  }
0x2d: {  	s3 =	simm.s32 $0x108;
	s8 =	sld [smem:$0x3FB5]  }
0x2e: {  	s3 =	simm.s32 @!p0 $0x1082;
	s9 =	sld [smem:$0x3FB6]  }
0x2f: {  	lr =	sadd.s32 s0, s3;
	s0 =	sld [smem:$0x3FAD]  }
0x30: {  	s3 =	sld [smem:$0x3FB0]  }
0x31: {  	[smem:$0x3FB9] =	sst s10  }
0x32: {  	s10 =	sld [smem:$0x3FB7];
	_ =	sdelay $0x3  }
0x33: {  	p0 =	seq.s32 s10, $0x1;
	s10 =	sld [smem:$0x3FB9];
	_ =	sdelay $0x3  }
0x34: {  	[smem:$0x3FB9] =	sst s10  }
0x35: {  	s10 =	sld [smem:$0x3FB8];
	_ =	sdelay $0x3  }
0x36: {  	p1 =	seq.s32 s10, $0x1;
	s10 =	sld [smem:$0x3FB9];
	_ =	sdelay $0x3  }
0x37: {  	[smem:$0x3FB9] =	sst s10  }
0x38: {  	s10 =	sld [smem:$0x3FBA]  }
0x39: {  	_ = 	snop;
	(pc) =	sbr.ind lr, $3  }
0x3a: {  	_ = 	snop  }
0x3b: {  	_ = 	snop  }
0x3c: {  	p2 =	seq.s32 s10, $0x1;
	s10 =	sld [smem:$0x3FB9]  }
0x3d: {  	_ =	shalt  }
0x3e: {  	_ =	shalt  }
0x3f: {  	_ =	shalt  }
0x40: {  	_ =	shalt  }
0x41: {  	_ =	shalt  }
0x42: {  	_ =	shalt  }
0x43: {  	_ =	shalt  }
0x44: {  	_ =	shalt  }
0x45: {  	_ =	shalt  }
0x46: {  	_ =	shalt  }
0x47: {  	_ =	shalt  }
0x48: {  	_ =	shalt  }
0x49: {  	_ =	shalt  }
0x4a: {  	_ =	shalt  }
0x4b: {  	_ =	shalt  }
0x4c: {  	_ =	shalt  }
0x4d: {  	_ =	shalt  }
0x4e: {  	_ =	shalt  }
0x4f: {  	_ =	shalt  }
0x50: {  	_ =	shalt  }
0x51: {  	_ =	shalt  }
0x52: {  	_ =	shalt  }
0x53: {  	_ =	shalt  }
0x54: {  	_ =	shalt  }
0x55: {  	_ =	shalt  }
0x56: {  	_ =	shalt  }
0x57: {  	_ =	shalt  }
0x58: {  	_ =	shalt  }
0x59: {  	_ =	shalt  }
0x5a: {  	_ =	shalt  }
0x5b: {  	_ =	shalt  }
0x5c: {  	_ =	shalt  }
0x5d: {  	_ =	shalt  }
0x5e: {  	_ =	shalt  }
0x5f: {  	_ =	shalt  }
0x60: {  	_ =	shalt  }
0x61: {  	_ =	shalt  }
0x62: {  	_ =	shalt  }
0x63: {  	_ =	shalt  }
0x64: {  	_ =	shalt  }
0x65: {  	_ =	shalt  }
0x66: {  	_ =	shalt  }
0x67: {  	_ =	shalt  }
0x68: {  	_ =	shalt  }
0x69: {  	_ =	shalt  }
0x6a: {  	_ =	shalt  }
0x6b: {  	_ =	shalt  }
0x6c: {  	_ =	shalt  }
0x6d: {  	_ =	shalt  }
0x6e: {  	_ =	shalt  }
0x6f: {  	_ =	shalt  }
0x70: {  	_ =	shalt  }
0x71: {  	_ =	shalt  }
0x72: {  	_ =	shalt  }
0x73: {  	_ =	shalt  }
0x74: {  	_ =	shalt  }
0x75: {  	_ =	shalt  }
0x76: {  	_ =	shalt  }
0x77: {  	_ =	shalt  }
0x78: {  	_ =	shalt  }
0x79: {  	_ =	shalt  }
0x7a: {  	_ =	shalt  }
0x7b: {  	_ =	shalt  }
0x7c: {  	_ =	shalt  }
0x7d: {  	_ =	shalt  }
0x7e: {  	_ =	shalt  }
0x7f: {  	_ =	shalt  }
0x80: {  	_ =	shalt  }
0x81: {  	_ =	shalt  }
0x82: {  	_ =	shalt  }
0x83: {  	_ =	shalt  }
0x84: {  	_ =	shalt  }
0x85: {  	_ =	shalt  }
0x86: {  	_ =	shalt  }
0x87: {  	_ =	shalt  }
.Lfunc_end0:
.L_simem_size_0:
called_computation.2_lowered:
.L_overlay_start_0:
0x88: {  	s2 =	sld [smem:$0x3FD9]  }
0x89: {  	s3 =	sld [smem:$0x3FFE];
	_ =	sdelay $0x1  }
0x8a: {  	s1 =	srdreg.scid  }
0x8b: {  	s0 =	sand.u32 $0x1, s1  }
0x8c: {  	s17 =	sshll.u32 s0, $0xA;
	s2 =	sadd.s32 s3, s2  }
0x8d: {  	s2 =	sadd.s32 s2, s17  }
0x8e: {  	[smem:$0x3FC5] =	sst s2  }
0x8f: {  	_ = 	snop  }
0x90: {  	s2 =	sld [smem:$0x3FD0];
	(tm) =	ssettm $0x1  }
0x91: {  	s18 =	sld [smem:$0x3FFB];
	_ =	sdelay $0x3  }
0x92: {  	_ =	strace s18  }
0x93: {  	s3 =	sld [smem:$0x3FFC];
	_ =	sdelay $0x3  }
0x94: {  	_ =	strace s3  }
0x95: {  	s3 =	sld [smem:$0x3FFD];
	_ =	sdelay $0x3  }
0x96: {  	_ =	strace s3  }
0x97: {  	_ =	strace $0x8FFFFFFF  }
0x98: {  	s19 =	sld [smem:$0x3FDB];
	_ =	sdelay $0x1  }
0x99: {  	s4 =	simm.s32 $_scs_section_size  }
0x9a: {  	s5 =	simm.s32 $_size__tile_overlayer_lowered;
	s6 =	simm.s32 $_tile_overlayer_lowered  }
0x9b: {  	s22 =	simm.s32 $0x1BFF;
	s21 =	sshll.u32 s6, $0x1;
	s3 =	sadd.s32 s4, s19  }
0x9c: {  	s7 =	simm.s32 $0x0;
	s20 =	sshll.u32 s5, $0x1;
	s5 =	sadd.s32 s21, s3  }
0x9d: {  	[timem:s7], [sflag:s22] =	dma.local [hbm:s5], s20  }
0x9e: {  	_ =	swait.ge [sflag:s22], s20  }
0x9f: {  	s4 =	ssub.s32 $0x0, s20;
	[sflag:s22] =	ssyncset.done $0x0  }
0xa0: {  	[sflag:s22] =	ssyncadd.s32 s4;
	_ =	sdelay $0x1  }
0xa1: {  	s23 =	simm.s32 $0x1B8B  }
0xa2: {  	_ =	swait.ge [sflag:s23], $0x1  }
0xa3: {  	[sflag:s23] =	ssyncset.done $0x0  }
0xa4: {  	s25 =	simm.s32 $0x1B8E;
	s24 =	sld [smem:$0x3FFE];
	[sflag:s23] =	ssyncadd.s32 $0xFFFFFFFF  }
0xa5: {  	s26 =	simm.s32 $execute0_lowered;
	[smem:$0x3FD2] =	sst s25  }
0xa6: {  	s5 =	sshll.u32 s26, $0x1;
	_ =	strace $0x80000049;
	[dreg:$0x1] =	wrdreg $0xFFFFFFFF  }
0xa7: {  	s28 =	simm.s32 $_size_execute0_lowered;
	s3 =	sadd.s32 s3, s5;
	[dreg:$0x0] =	wrdreg $0x0  }
0xa8: {  	s5 =	sshll.u32 s28, $0x1;
	[dreg:$0x2] =	wrdreg s3  }
0xa9: {  	[dreg:$0x3] =	wrdreg s5  }
0xaa: {  	[dreg:$0x4] =	wrdreg $0xC0  }
0xab: {  	_ =	task [dreg:s7], $0x5FFFF  }
0xac: {  	[dreg:$0x1] =	wrdreg $0xFFFFFFFF  }
0xad: {  	[dreg:$0x0] =	wrdreg $0x60  }
0xae: {  	[dreg:$0x2] =	wrdreg s24  }
0xaf: {  	[dreg:$0x3] =	wrdreg s2  }
0xb0: {  	[dreg:$0x4] =	wrdreg $0x90000  }
0xb1: {  	[dreg:$0x5] =	wrdreg $0x9  }
0xb2: {  	_ =	task.clear_ibuf [dreg:s7], $0x6FFFF;
	_ =	strace $0x90000049  }
0xb3: {  	s29 =	simm.s32 $0x9;
	_ =	strace $0x8000004B  }
0xb4: {  	_ =	swait.ge [sflag:s29], $0x1  }
0xb5: {  	[sflag:s29] =	ssyncadd.s32 $0xFFFFFFFF  }
0xb6: {  	_ =	strace $0x9000004B  }
0xb7: {  	_ =	sfence  }
0xb8: {  	s30 =	sld [smem:$0x0];
	_ =	sdelay $0x2  }
0xb9: {  	s31 =	sshll.u32 s1, $0xD;
	s1 =	sshrl.u32 s1, $0x2  }
0xba: {  	s3 =	sand.u32 $0x4000, s31;
	s1 =	sadd.s32 s1, s30  }
0xbb: {  	s0 =	sor.u32 s3, s0;
	s1 =	sshll.u32 s1, $0x11  }
0xbc: {  	s0 =	sor.u32 s1, s0  }
0xbd: {  	s0 =	sadd.s32 $0x8F2B, s0  }
0xbe: {  	[sflag:s0] =	ssyncadd.remote.s32 $0x1  }
0xbf: {  	_ =	sfence.sel $0xFFFF  }
0xc0: {  	[dreg:$0x0] =	wrdreg $0xFFFFFFFF;
	(pc) =	sbr.abs _section_cstart, $3  }
0xc1: {  	[dreg:$0x1] =	wrdreg $0xFFFFFFFF  }
0xc2: {  	_ =	task.clear_ibuf [dreg:s7], $0x2FFFF;
	_ =	strace $0x9FFFFFFF  }
0xc3: {  	(tm) =	ssettm $0x7FFFFFFF  }
tec
execute0_lowered:
.L_overlay_start_1:
0x0: {  	(tag) =	ssettag $0x1  }
0x1: {  	s5 =	rddreg [dreg:$0x0]  }
0x2: {  	s1 =	srdreg.scid;
	s10 =	rddreg [dreg:$0x1]  }
0x3: {  	s0 =	stileid.u32;
	s2 =	rddreg [dreg:$0x2]  }
0x4: {  	s3 =	simm.s32 $0x0;
	s15 =	simm.s32 $0x1;
	s16 =	simm.s32 $0x2800  }
0x5: {  	s17 =	simm.s32 $0x80;
	s6 =	sand.u32 $0x1, s1;
	s30 =	sshll.u32 s0, $0x1  }
0x6: {  	[smem:$0x7FF] =	sst s3;
	s8 =	smul.u32 $0x14000, s0;
	s4 =	sadd.s32 $0x1800, s5  }
0x7: {  	s9 =	smul.u32 $0x50000, s0;
	s18 =	sshll.u32 s0, $0x6;
	s1 =	sor.u32 s6, s30  }
0x8: {  	s7 =	smul.u32 $0x140000, s6;
	s6 =	ssub.s32 $0x2, s6;
	s18 =	sor.u32 $0x1C01, s18  }
0x9: {  	s11 =	smul.u32 $0x500, s1;
	s1 =	rddreg [dreg:$0x3];
	_ =	strace $0x8000004A  }
0xa: {  	s31 =	sshrl.u32 s6, $0x1;
	s9 =	sshrl.u32 s9, $0x2;
	s7 =	sadd.s32 s8, s7  }
0xb: {  	s14 =	ssub.s32 s6, s31;
	s12 =	sadd.s32 s11, s5;
	s7 =	sshrl.u32 s7, $0x3  }
0xc: {  	s10 =	sadd.s32 s10, s11;
	s13 =	sadd.s32 s7, s5;
	s5 =	sadd.s32 s9, s2  }
0xd: {  	s11 =	sadd.s32 $0x51800, s12;
	s6 =	sadd.s32 $0x4000, s5;
	s7 =	sadd.s32 $0x8000, s5  }
0xe: {  	s8 =	sadd.s32 $0xC000, s5;
	s9 =	sadd.s32 $0x10000, s5;
	s12 =	sadd.s32 $0x5B800, s13  }
0xf: {  	v0 =	vimm.f32 $0.0e+00;
	s13 =	smax.u32 s14, $0x1;
	s14 =	simm.s32 $0x5000;
	s19 =	sshrl.u32 s5, $0x3  }
.LBB2_1:
0x10: {  	s20 =	simm.s32 $0x0;
	s21 =	simm.s32 $0x200  }
.LBB2_2:
0x11: {  	p0 =	sne.s32 s21, $0xFE00;
	[tilespmem:s20+$0x5070] =	vst v0  }
0x12: {  	[tilespmem:s20+$0x5000] =	vst v0  }
0x13: {  	[tilespmem:s20+$0x5010] =	vst v0  }
.Ltmp0:
0x14: {  	[tilespmem:s20+$0x5020] =	vst v0;
	(pc) =	sbr.rel @p0 .LBB2_2-.Ltmp0, $4  }
0x15: {  	[tilespmem:s20+$0x5030] =	vst v0  }
0x16: {  	[tilespmem:s20+$0x5040] =	vst v0  }
0x17: {  	[tilespmem:s20+$0x5050] =	vst v0  }
0x18: {  	[tilespmem:s20+$0x5060] =	vst v0;
	s20 =	sshra.s32 s21, $0x2;
	s21 =	sadd.s32 $0x200, s21  }
0x19: {  	[tilespmem:s20+$0x5070] =	vst v0  }
0x1a: {  	[tilespmem:s20+$0x5000] =	vst v0  }
0x1b: {  	[tilespmem:s20+$0x5010] =	vst v0  }
0x1c: {  	[tilespmem:s20+$0x5020] =	vst v0  }
0x1d: {  	[tilespmem:s20+$0x5030] =	vst v0  }
0x1e: {  	[tilespmem:s20+$0x5040] =	vst v0  }
0x1f: {  	[tilespmem:s20+$0x5050] =	vst v0  }
0x20: {  	[tilespmem:s20+$0x5060] =	vst v0  }
0x21: {  	[spmem:s5] =	stream.linear.scatter [tilespmem:s14], [sflag:$0x1], $0x4000, $0x38;
	[tilespmem:$0x1D000] =	vst v63  }
0x22: {  	_ =	swait.ge [sflag:s15], $0x4000  }
0x23: {  	[sflag:s15] =	ssyncset.done $0x0  }
0x24: {  	[sflag:s15] =	ssyncadd.s32 $0xFFFFC000  }
0x25: {  	[spmem:s6] =	stream.linear.scatter [tilespmem:s14], [sflag:$0x1], $0x4000, $0x38;
	[tilespmem:$0x1D000] =	vst v63  }
0x26: {  	_ =	swait.ge [sflag:s15], $0x4000  }
0x27: {  	[sflag:s15] =	ssyncset.done $0x0  }
0x28: {  	[sflag:s15] =	ssyncadd.s32 $0xFFFFC000  }
0x29: {  	[spmem:s7] =	stream.linear.scatter [tilespmem:s14], [sflag:$0x1], $0x4000, $0x38;
	[tilespmem:$0x1D000] =	vst v63  }
0x2a: {  	_ =	swait.ge [sflag:s15], $0x4000  }
0x2b: {  	[sflag:s15] =	ssyncset.done $0x0  }
0x2c: {  	[sflag:s15] =	ssyncadd.s32 $0xFFFFC000  }
0x2d: {  	[spmem:s8] =	stream.linear.scatter [tilespmem:s14], [sflag:$0x1], $0x4000, $0x38;
	[tilespmem:$0x1D000] =	vst v63  }
0x2e: {  	_ =	swait.ge [sflag:s15], $0x4000  }
0x2f: {  	[sflag:s15] =	ssyncset.done $0x0  }
0x30: {  	[sflag:s15] =	ssyncadd.s32 $0xFFFFC000  }
0x31: {  	[spmem:s9] =	stream.linear.scatter [tilespmem:s14], [sflag:$0x1], $0x4000, $0x38;
	[tilespmem:$0x1D000] =	vst v63  }
0x32: {  	_ =	swait.ge [sflag:s15], $0x4000  }
0x33: {  	[sflag:s15] =	ssyncset.done $0x0  }
0x34: {  	[sflag:s15] =	ssyncadd.s32 $0xFFFFC000  }
0x35: {  	s29 =	simm.s32 $0x0;
	[bflag:$0x0] =	sbarrier.arrive $0xFFFF  }
0x36: {  	[tilespmem:s29], [sflag:$0x1] =	stream.linear.gather [hbm4b:s10+s29], $0x2780, $0x38;
	[tilespmem:$0x1D000] =	vst v63  }
0x37: {  	_ =	swait.ge [sflag:s15], $0x2780  }
0x38: {  	[sflag:s15] =	ssyncset.done $0x0  }
0x39: {  	[sflag:s15] =	ssyncadd.s32 $0xFFFFD880  }
0x3a: {  	[tilespmem:s16], [sflag:$0x1] =	stream.linear.gather [hbm4b:s11+s29], $0x2780, $0x38;
	[tilespmem:$0x1D000] =	vst v63  }
0x3b: {  	_ =	swait.ge [sflag:s15], $0x2780  }
0x3c: {  	[sflag:s15] =	ssyncset.done $0x0  }
0x3d: {  	s30 =	simm.s32 $0x0;
	[sflag:s15] =	ssyncadd.s32 $0xFFFFD880  }
0x3e: {  	[tilespmem:s14], [sflag:$0x1] =	stream.indirect.gather [hbm4b:s4+s17], $0x80, s30, s17, $0xb8;
	[tilespmem:$0x1D000] =	vst v63  }
0x3f: {  	_ =	swait.ge [sflag:s15], $0x4000  }
0x40: {  	[sflag:s15] =	ssyncset.done $0x0  }
0x41: {  	s31 =	simm.s32 $0x2800;
	[sflag:s15] =	ssyncadd.s32 $0xFFFFC000  }
0x42: {  	[spmem:s2] =	stream.indirect.scatter.add.f32 [tilespmem:s14], [sflag:$0x1], $0x80, s31, s17, $0xb8;
	[tilespmem:$0x1D000] =	vst v63  }
0x43: {  	_ =	swait.ge [sflag:s15], $0x4000  }
0x44: {  	s20 =	simm.s32 $0x200;
	s21 =	simm.s32 $0x400;
	[sflag:s15] =	ssyncset.done $0x0  }
.LBB2_4:
0x45: {  	s22 =	sshra.s32 s20, $0x2  }
0x46: {  	[sflag:s15] =	ssyncadd.s32 $0xFFFFC000;
	s20 =	smov.u32 s21;
	s23 =	sadd.s32 $0x200, s21  }
0x47: {  	[tilespmem:s14], [sflag:$0x1] =	stream.indirect.gather [hbm4b:s4+s17], $0x80, s22, s17, $0xb8;
	[tilespmem:$0x1D000] =	vst v63  }
0x48: {  	p0 =	sne.s32 s21, $0x9C00;
	_ =	swait.ge [sflag:s15], $0x4000  }
.Ltmp1:
0x49: {  	[sflag:s15] =	ssyncset.done $0x0;
	(pc) =	sbr.rel @p0 .LBB2_4-.Ltmp1, $4  }
0x4a: {  	s21 =	sadd.s32 $0x2800, s22;
	[sflag:s15] =	ssyncadd.s32 $0xFFFFC000  }
0x4b: {  	[spmem:s2] =	stream.indirect.scatter.add.f32 [tilespmem:s14], [sflag:$0x1], $0x80, s21, s17, $0xb8;
	[tilespmem:$0x1D000] =	vst v63  }
0x4c: {  	_ =	swait.ge [sflag:s15], $0x4000  }
0x4d: {  	s21 =	smov.u32 s23;
	[sflag:s15] =	ssyncset.done $0x0  }
0x4e: {  	s20 =	sshra.s32 s20, $0x2;
	[sflag:s15] =	ssyncadd.s32 $0xFFFFC000  }
0x4f: {  	[tilespmem:s14], [sflag:$0x1] =	stream.indirect.gather [hbm4b:s4+s17], $0x80, s20, s17, $0xb8;
	[tilespmem:$0x1D000] =	vst v63  }
0x50: {  	_ =	swait.ge [sflag:s15], $0x4000  }
0x51: {  	[sflag:s15] =	ssyncset.done $0x0  }
0x52: {  	s20 =	sadd.s32 $0x2800, s20;
	[sflag:s15] =	ssyncadd.s32 $0xFFFFC000  }
0x53: {  	[spmem:s2] =	stream.indirect.scatter.add.f32 [tilespmem:s14], [sflag:$0x1], $0x80, s20, s17, $0xb8;
	[tilespmem:$0x1D000] =	vst v63  }
0x54: {  	_ =	swait.ge [sflag:s15], $0x4000  }
0x55: {  	s3 =	sadd.s32 $0x1, s3;
	[sflag:s15] =	ssyncset.done $0x0  }
0x56: {  	p0 =	sne.s32 s3, s13;
	[sflag:s15] =	ssyncadd.s32 $0xFFFFC000  }
.Ltmp2:
0x57: {  	[bflag:$0x0] =	sbarrier.arrive $0xFFFF;
	(pc) =	sbr.rel @p0 .LBB2_1-.Ltmp2, $4  }
0x58: {  	[hbm:s12], [sflag:s18] =	dma.local [spmem:s19], $0x2800  }
0x59: {  	_ =	swait.ge [sflag:s15], $0x2800  }
0x5a: {  	[sflag:s15] =	ssyncset.done $0x0  }
0x5b: {  	[sflag:s15] =	ssyncadd.s32 $0xFFFFD800  }
0x5c: {  	_ =	sfence.sel $0x180000  }
0x5d: {  	[bflag:$0x0] =	sbarrier.arrive $0xFFFF  }
0x5e: {  	p0 =	sne.s32 s0, $0x0;
	_ =	strace $0x9000004A  }
0x5f: {  	s0 =	sadd.s32 @!p0 $0x100000, s1;
	[bflag:$0x2] =	sbarrier.arrive $0xFFFF  }
0x60: {  	[sflag:s0] =	ssyncadd.tile.s32 @!p0 $0x1;
	_ =	shalt  }
.Lfunc_end2:
_tile_overlayer_lowered:
.L_overlay_start_2:
0x61: {  	(tag) =	ssettag $0x2  }
0x62: {  	s0 =	rddreg [dreg:$0x0];
	s2 =	stileid.u32  }
0x63: {  	s1 =	rddreg [dreg:$0x1];
	p0 =	sne.s32 s2, $0x0  }
0x64: {  	s3 =	rddreg [dreg:$0x2];
	[bflag:$0x3] =	sbarrier.arrive $0xFFFF;
	s2 =	simm.s32 @!p0 $0x1C01  }
0x65: {  	[timem:s3], [sflag:s2] =	dma.local @!p0 [hbm:s0], s1  }
0x66: {  	s0 =	simm.s32 @!p0 $0x1  }
0x67: {  	_ =	swait.ge @!p0 [sflag:s0], s1  }
0x68: {  	s1 =	ssub.s32 @!p0 $0x0, s1;
	[sflag:s0] =	ssyncset.done @!p0 $0x0  }
0x69: {  	[sflag:s0] =	ssyncadd.s32 @!p0 s1  }
0x6a: {  	[bflag:$0x3] =	sbarrier.arrive $0xFFFF  }
0x6b: {  	_ =	shalt  }

</sc_bundles>
